<compile_context>
chip_gen: v7x
topology: tpu7x:2x2x1
jax: 0.10.2.dev20260603
libtpu: 0.0.44.dev20260713+nightly
codegen_flags: <defaults>
</compile_context>

<pallas_src>
import functools

import jax
import jax.numpy as jnp
from jax import lax
from jax.experimental import pallas as pl
from jax.experimental.pallas import tpu as pltpu
from jax.experimental.pallas import tpu_sc as plsc

N = 10000
F_IN = 128
HID = 64
HW = 128
N_GRAPHS = 64
N_CLASSES = 10

NP = 10240
R = 1280
NBLK = NP // R

NC = 2
NS = 16
NW = NC * NS
K = 128
KH = 64
RPT = NP // NS

_MESH = dict(core_axis_name="c", subcore_axis_name="s")



def _sc_hist(dstp, ones_rows, zinit, nch):
    mesh = plsc.VectorSubcoreMesh(**_MESH)

    @functools.partial(
        pl.kernel,
        out_type=jax.ShapeDtypeStruct((NC, NP, HW), jnp.float32),
        mesh=mesh,
        scratch_types=[
            pltpu.VMEM((nch, K), jnp.int32),
            pltpu.VMEM((K, HW), jnp.float32),
            pltpu.VMEM_SHARED((NP, HW), jnp.float32),
        ],
    )
    def k(dst_hbm, ones_hbm, z_hbm, out_hbm, dstv, onesv, acc):
        c = lax.axis_index("c")
        s = lax.axis_index("s")
        wid = s * NC + c
        base = s * RPT
        pltpu.sync_copy(z_hbm.at[pl.ds(base, RPT)], acc.at[pl.ds(base, RPT)])
        pltpu.sync_copy(ones_hbm, onesv)
        pltpu.sync_copy(dst_hbm.at[wid], dstv)
        plsc.subcore_barrier()

        def step(j, carry):
            pltpu.sync_copy(onesv, acc.at[dstv.at[j]], add=True)
            return carry

        lax.fori_loop(0, nch, step, 0)
        plsc.subcore_barrier()
        pltpu.sync_copy(acc.at[pl.ds(base, RPT)],
                        out_hbm.at[c, pl.ds(base, RPT)])

    return k(dstp, ones_rows, zinit)


def _sc_msg(srcp, dstp, y, zinit, nch):
    mesh = plsc.VectorSubcoreMesh(**_MESH)
    tot = 2 * nch

    @functools.partial(
        pl.kernel,
        out_type=jax.ShapeDtypeStruct((NC, NP, HW), jnp.float32),
        mesh=mesh,
        scratch_types=[
            pltpu.VMEM((nch * K,), jnp.int32),
            pltpu.VMEM((nch, 2, KH), jnp.int32),
            pltpu.VMEM((2, KH, HW), jnp.float32),
            pltpu.VMEM_SHARED((NP, HW), jnp.float32),
            pltpu.SemaphoreType.DMA((2,)),
        ],
    )
    def k(src_hbm, dst_hbm, y_hbm, z_hbm, out_hbm, srcv, dstv, rows, acc,
          gsem):
        c = lax.axis_index("c")
        s = lax.axis_index("s")
        wid = s * NC + c
        base = s * RPT
        pltpu.sync_copy(z_hbm.at[pl.ds(base, RPT)], acc.at[pl.ds(base, RPT)])
        pltpu.sync_copy(src_hbm.at[wid], srcv)
        pltpu.sync_copy(dst_hbm.at[wid], dstv)
        plsc.subcore_barrier()

        pltpu.async_copy(y_hbm.at[srcv.at[pl.ds(0, KH)]], rows.at[0],
                         gsem.at[0])

        def step(u, carry):
            p = lax.rem(u, 2)
            pltpu.make_async_copy(y_hbm.at[srcv.at[pl.ds(0, KH)]],
                                  rows.at[p], gsem.at[p]).wait()

            @pl.when(u + 1 < tot)
            def _():
                pltpu.async_copy(
                    y_hbm.at[srcv.at[pl.ds((u + 1) * KH, KH)]],
                    rows.at[1 - p], gsem.at[1 - p])

            pltpu.sync_copy(rows.at[p],
                            acc.at[dstv.at[lax.div(u, 2), lax.rem(u, 2)]],
                            add=True)
            return carry

        lax.fori_loop(0, tot, step, 0)
        plsc.subcore_barrier()
        pltpu.sync_copy(acc.at[pl.ds(base, RPT)],
                        out_hbm.at[c, pl.ds(base, RPT)])

    return k(srcp, dstp, y, zinit)



def _tc_matmul(x_pad, W1p):
    def body(x_ref, w_ref, o_ref):
        o_ref[...] = jnp.dot(x_ref[...], w_ref[...],
                             preferred_element_type=jnp.float32)

    return pl.pallas_call(
        body,
        grid=(NBLK,),
        in_specs=[
            pl.BlockSpec((R, F_IN), lambda i: (i, 0)),
            pl.BlockSpec((F_IN, HW), lambda i: (0, 0)),
        ],
        out_specs=pl.BlockSpec((R, HW), lambda i: (i, 0)),
        out_shape=jax.ShapeDtypeStruct((NP, HW), jnp.float32),
    )(x_pad, W1p)


def _tc_scale1(xw, hist):
    def body(xw_ref, h_ref, y_ref, dis_ref):
        i = pl.program_id(0)
        h = h_ref[...]
        deg = h[0] + h[1] + 1.0
        dis = lax.rsqrt(deg)
        row = lax.broadcasted_iota(jnp.int32, (R, HW), 0) + i * R
        dis = jnp.where(row < N, dis, 0.0)
        y_ref[...] = dis * xw_ref[...]
        dis_ref[...] = dis

    return pl.pallas_call(
        body,
        grid=(NBLK,),
        in_specs=[
            pl.BlockSpec((R, HW), lambda i: (i, 0)),
            pl.BlockSpec((NC, R, HW), lambda i: (0, i, 0)),
        ],
        out_specs=[
            pl.BlockSpec((R, HW), lambda i: (i, 0)),
            pl.BlockSpec((R, HW), lambda i: (i, 0)),
        ],
        out_shape=[
            jax.ShapeDtypeStruct((NP, HW), jnp.float32),
            jax.ShapeDtypeStruct((NP, HW), jnp.float32),
        ],
    )(xw, hist)


def _tc_layer2(acc1, y1, dis, b1r, W2p):
    def body(a_ref, y1_ref, d_ref, b_ref, w_ref, y2_ref):
        a = a_ref[...]
        d = d_ref[...]
        o = d * (a[0] + a[1] + y1_ref[...]) + b_ref[...]
        h = jnp.maximum(o, 0.0)
        y2_ref[...] = d * jnp.dot(h, w_ref[...],
                                  preferred_element_type=jnp.float32)

    return pl.pallas_call(
        body,
        grid=(NBLK,),
        in_specs=[
            pl.BlockSpec((NC, R, HW), lambda i: (0, i, 0)),
            pl.BlockSpec((R, HW), lambda i: (i, 0)),
            pl.BlockSpec((R, HW), lambda i: (i, 0)),
            pl.BlockSpec((1, HW), lambda i: (0, 0)),
            pl.BlockSpec((HW, HW), lambda i: (0, 0)),
        ],
        out_specs=pl.BlockSpec((R, HW), lambda i: (i, 0)),
        out_shape=jax.ShapeDtypeStruct((NP, HW), jnp.float32),
    )(acc1, y1, dis, b1r, W2p)


def _tc_head(acc2, y2, dis, b2r, batch2d, fcW1p, fb1r, fcW2p, fb2r):
    def body(a_ref, y2_ref, d_ref, b_ref, bt_ref, w1_ref, c1_ref, w2_ref,
             c2_ref, out_ref, gsum, cnt):
        i = pl.program_id(0)

        @pl.when(i == 0)
        def _():
            gsum[...] = jnp.zeros((N_GRAPHS, HW), jnp.float32)
            cnt[...] = jnp.zeros((N_GRAPHS, 1), jnp.float32)

        a = a_ref[...]
        d = d_ref[...]
        o = d * (a[0] + a[1] + y2_ref[...]) + b_ref[...]
        h2 = jnp.maximum(o, 0.0)
        bt = bt_ref[...]
        gid = lax.broadcasted_iota(jnp.int32, (N_GRAPHS, 1), 0)
        oh = (bt == gid).astype(jnp.float32)
        gsum[...] += jnp.dot(oh, h2, preferred_element_type=jnp.float32)
        cnt[...] += jnp.dot(oh, jnp.ones((R, 1), jnp.float32),
                            preferred_element_type=jnp.float32)

        @pl.when(i == NBLK - 1)
        def _():
            g = gsum[...] / jnp.maximum(cnt[...], 1.0)
            z = jnp.maximum(
                jnp.dot(g, w1_ref[...], preferred_element_type=jnp.float32)
                + c1_ref[...], 0.0)
            out_ref[...] = (jnp.dot(z, w2_ref[...],
                                    preferred_element_type=jnp.float32)
                            + c2_ref[...])

    return pl.pallas_call(
        body,
        grid=(NBLK,),
        in_specs=[
            pl.BlockSpec((NC, R, HW), lambda i: (0, i, 0)),
            pl.BlockSpec((R, HW), lambda i: (i, 0)),
            pl.BlockSpec((R, HW), lambda i: (i, 0)),
            pl.BlockSpec((1, HW), lambda i: (0, 0)),
            pl.BlockSpec((1, R), lambda i: (0, i)),
            pl.BlockSpec((HW, HW), lambda i: (0, 0)),
            pl.BlockSpec((1, HW), lambda i: (0, 0)),
            pl.BlockSpec((HW, N_CLASSES), lambda i: (0, 0)),
            pl.BlockSpec((1, N_CLASSES), lambda i: (0, 0)),
        ],
        out_specs=pl.BlockSpec((N_GRAPHS, N_CLASSES), lambda i: (0, 0)),
        out_shape=jax.ShapeDtypeStruct((N_GRAPHS, N_CLASSES), jnp.float32),
        scratch_shapes=[
            pltpu.VMEM((N_GRAPHS, HW), jnp.float32),
            pltpu.VMEM((N_GRAPHS, 1), jnp.float32),
        ],
        compiler_params=pltpu.CompilerParams(
            dimension_semantics=("arbitrary",)),
    )(acc2, y2, dis, b2r, batch2d, fcW1p, fb1r, fcW2p, fb2r)



def kernel(x, edge_index, batch, W1, b1, W2, b2, fcW1, fcb1, fcW2, fcb2):
    n, f_in = x.shape
    e = edge_index.shape[1]
    nch = -(-e // (NW * K))
    ep = NW * nch * K

    x_pad = jnp.zeros((NP, f_in), jnp.float32).at[:n].set(x)
    pad = jnp.full((ep - e,), n, jnp.int32)
    srcp = jnp.concatenate([edge_index[0], pad]).reshape(NW, nch, K)
    dstp = jnp.concatenate([edge_index[1], pad]).reshape(NW, nch, K)
    batch2d = jnp.concatenate(
        [batch, jnp.full((NP - n,), N_GRAPHS, jnp.int32)]).reshape(1, NP)
    ones_rows = jnp.ones((K, HW), jnp.float32)
    zinit = jnp.zeros((NP, HW), jnp.float32)
    W1p = jnp.zeros((f_in, HW), jnp.float32).at[:, :HID].set(W1)
    W2p = jnp.zeros((HW, HW), jnp.float32).at[:HID, :HID].set(W2)
    fcW1p = jnp.zeros((HW, HW), jnp.float32).at[:HID, :HID].set(fcW1)
    fcW2p = jnp.zeros((HW, N_CLASSES), jnp.float32).at[:HID].set(fcW2)
    b1r = jnp.zeros((1, HW), jnp.float32).at[0, :HID].set(b1)
    b2r = jnp.zeros((1, HW), jnp.float32).at[0, :HID].set(b2)
    fb1r = jnp.zeros((1, HW), jnp.float32).at[0, :HID].set(fcb1)
    fb2r = fcb2.reshape(1, N_CLASSES)

    srcp_m = srcp.reshape(NW, nch * K)
    dstp_m = dstp.reshape(NW, nch, 2, KH)
    hist = _sc_hist(dstp, ones_rows, zinit, nch)
    xw = _tc_matmul(x_pad, W1p)
    y1, dis = _tc_scale1(xw, hist)
    acc1 = _sc_msg(srcp_m, dstp_m, y1, zinit, nch)
    y2 = _tc_layer2(acc1, y1, dis, b1r, W2p)
    acc2 = _sc_msg(srcp_m, dstp_m, y2, zinit, nch)
    return _tc_head(acc2, y2, dis, b2r, batch2d, fcW1p, fb1r, fcW2p, fb2r)

# --- scband reference (transcript-rebuilt; emitter-appended) ---
"""Pipeline reference for scband-gcnmodel-28793460753165 (READ-ONLY COPY).

The authoritative reference and input builder live on the scoring server;
editing this copy changes nothing except your own understanding.
"""

import jax, jax.numpy as jnp
import numpy as np

N = 10000
E = 320000
F_IN = 128
HID = 64
N_CLASSES = 10
N_GRAPHS = 64


def gcn_conv(x, src, dst, W, b, num_nodes):
    # PyG GCNConv: linear transform, add self-loops, symmetric normalization, scatter-add
    x = x @ W
    loop = jnp.arange(num_nodes, dtype=src.dtype)
    src = jnp.concatenate([src, loop])
    dst = jnp.concatenate([dst, loop])
    deg = jax.ops.segment_sum(jnp.ones(dst.shape, dtype=x.dtype), dst, num_segments=num_nodes)
    deg_inv_sqrt = jnp.where(deg > 0, 1.0 / jnp.sqrt(jnp.maximum(deg, 1e-12)), 0.0)
    norm = deg_inv_sqrt[src] * deg_inv_sqrt[dst]
    msgs = x[src] * norm[:, None]
    out = jax.ops.segment_sum(msgs, dst, num_segments=num_nodes)
    return out + b


def global_mean_pool(x, batch, num_graphs):
    s = jax.ops.segment_sum(x, batch, num_segments=num_graphs)
    cnt = jax.ops.segment_sum(jnp.ones((x.shape[0],), dtype=x.dtype), batch, num_segments=num_graphs)
    return s / jnp.maximum(cnt, 1.0)[:, None]


def setup_inputs(seed: int = 0) -> dict:
    key = jax.random.key(seed)
    ks = jax.random.split(key, 12)
    x = jax.random.normal(ks[0], (N, F_IN), dtype=jnp.float32)
    edge_index = jax.random.randint(ks[1], (2, E), 0, N, dtype=jnp.int32)
    batch = jnp.sort(jax.random.randint(ks[2], (N,), 0, N_GRAPHS, dtype=jnp.int32))
    W1 = jax.random.normal(ks[3], (F_IN, HID), dtype=jnp.float32) * (1.0 / np.sqrt(F_IN))
    b1 = jnp.zeros((HID,), dtype=jnp.float32)
    W2 = jax.random.normal(ks[4], (HID, HID), dtype=jnp.float32) * (1.0 / np.sqrt(HID))
    b2 = jnp.zeros((HID,), dtype=jnp.float32)
    fcW1 = jax.random.normal(ks[5], (HID, HID), dtype=jnp.float32) * (1.0 / np.sqrt(HID))
    fcb1 = jnp.zeros((HID,), dtype=jnp.float32)
    fcW2 = jax.random.normal(ks[6], (HID, N_CLASSES), dtype=jnp.float32) * (1.0 / np.sqrt(HID))
    fcb2 = jnp.zeros((N_CLASSES,), dtype=jnp.float32)
    return {"x": x, "edge_index": edge_index, "batch": batch, "W1": W1, "b1": b1, "W2": W2, "b2": b2, "fcW1": fcW1, "fcb1": fcb1, "fcW2": fcW2, "fcb2": fcb2}


def reference(x, edge_index, batch, W1, b1, W2, b2, fcW1, fcb1, fcW2, fcb2):
    src, dst = edge_index[0], edge_index[1]
    h = gcn_conv(x, src, dst, W1, b1, N)
    h = jax.nn.relu(h)
    # dropout is identity in eval mode
    h = gcn_conv(h, src, dst, W2, b2, N)
    h = jax.nn.relu(h)
    g = global_mean_pool(h, batch, N_GRAPHS)
    g = jax.nn.relu(g @ fcW1 + fcb1)
    return g @ fcW2 + fcb2

if __name__ == "__main__":
    import jax
    _d = setup_inputs()
    print(jax.jit(kernel)(*tuple(_d.values())))

</pallas_src>

<mosaic_0001>
#map = affine_map<(d0, d1) -> (0, 0, 0)>
#map1 = affine_map<(d0, d1) -> (0, 0)>
module attributes {stable_mosaic.version = 14 : i64} {
  func.func @k(%arg0: i32, %arg1: i32, %arg2: memref<32x79x128xi32, #tpu.memory_space<hbm>>, %arg3: memref<128x128xf32, #tpu.memory_space<hbm>>, %arg4: memref<10240x128xf32, #tpu.memory_space<hbm>>, %arg5: memref<2x10240x128xf32, #tpu.memory_space<hbm>>, %arg6: memref<79x128xi32, #tpu.memory_space<vmem>>, %arg7: memref<128x128xf32, #tpu.memory_space<vmem>>, %arg8: memref<10240x128xf32, #tpu.memory_space<vmem_shared>>) attributes {dimension_semantics = [#tpu.dimension_semantics<core_parallel>, #tpu.dimension_semantics<subcore_parallel>], iteration_bounds = array<i64: 2, 16>, scalar_prefetch = 0 : i64, scratch_operands = 3 : i64, tpu.core_type = #tpu.core_type<sc_vector_subcore>, window_params = [{transform_indices = #map}, {transform_indices = #map1}, {transform_indices = #map1}, {transform_indices = #map}]} {
    %mul3A = arith.constant 2 : i32
    %mul3A_0 = arith.muli %arg1, %mul3A : i32
    %add3A = arith.addi %mul3A_0, %arg0 : i32
    %mul3A_1 = arith.constant 640 : i32
    %mul3A_2 = arith.muli %arg1, %mul3A_1 : i32
    "tpu.region"() ({
      %run_scoped3A = tpu.sem_alloc : memref<!tpu.dma_semaphore, #tpu.memory_space<semaphore_mem>>
      %dma_start3A = arith.constant 0 : i32
      %dma_start3A_9 = tpu.memref_slice %arg8[%mul3A_2, %dma_start3A] : memref<10240x128xf32, #tpu.memory_space<vmem_shared>> -> memref<640x128xf32, #tpu.memory_space<vmem_shared>>
      %dma_start3A_10 = arith.constant 0 : i32
      %dma_start3A_11 = tpu.memref_slice %arg4[%mul3A_2, %dma_start3A_10] : memref<10240x128xf32, #tpu.memory_space<hbm>> -> memref<640x128xf32, #tpu.memory_space<hbm>>
      tpu.enqueue_dma source(%dma_start3A_11 : memref<640x128xf32, #tpu.memory_space<hbm>>) target(%dma_start3A_9 : memref<640x128xf32, #tpu.memory_space<vmem_shared>>) target_semaphore(%run_scoped3A : memref<!tpu.dma_semaphore, #tpu.memory_space<semaphore_mem>>)
      %dma_wait3A = arith.constant 0 : i32
      %dma_wait3A_12 = tpu.memref_slice %arg8[%mul3A_2, %dma_wait3A] : memref<10240x128xf32, #tpu.memory_space<vmem_shared>> -> memref<640x128xf32, #tpu.memory_space<vmem_shared>>
      %dma_wait3A_13 = arith.constant 0 : i32
      %dma_wait3A_14 = tpu.memref_slice %arg4[%mul3A_2, %dma_wait3A_13] : memref<10240x128xf32, #tpu.memory_space<hbm>> -> memref<640x128xf32, #tpu.memory_space<hbm>>
      tpu.wait_dma2 semaphore(%run_scoped3A : memref<!tpu.dma_semaphore, #tpu.memory_space<semaphore_mem>>) src(%dma_wait3A_14 : memref<640x128xf32, #tpu.memory_space<hbm>>) dst(%dma_wait3A_12 : memref<640x128xf32, #tpu.memory_space<vmem_shared>>)
      tpu.yield
    }) : () -> ()
    "tpu.region"() ({
      %run_scoped3A = tpu.sem_alloc : memref<!tpu.dma_semaphore, #tpu.memory_space<semaphore_mem>>
      tpu.enqueue_dma source(%arg3 : memref<128x128xf32, #tpu.memory_space<hbm>>) target(%arg7 : memref<128x128xf32, #tpu.memory_space<vmem>>) target_semaphore(%run_scoped3A : memref<!tpu.dma_semaphore, #tpu.memory_space<semaphore_mem>>)
      tpu.wait_dma2 semaphore(%run_scoped3A : memref<!tpu.dma_semaphore, #tpu.memory_space<semaphore_mem>>) src(%arg3 : memref<128x128xf32, #tpu.memory_space<hbm>>) dst(%arg7 : memref<128x128xf32, #tpu.memory_space<vmem>>)
      tpu.yield
    }) : () -> ()
    "tpu.region"() ({
      %run_scoped3A = tpu.sem_alloc : memref<!tpu.dma_semaphore, #tpu.memory_space<semaphore_mem>>
      %dma_start3A = arith.constant 0 : i32
      %dma_start3A_9 = arith.constant 0 : i32
      %dma_start3A_10 = tpu.memref_slice %arg2[%add3A, %dma_start3A, %dma_start3A_9] : memref<32x79x128xi32, #tpu.memory_space<hbm>> -> memref<1x79x128xi32, #tpu.memory_space<hbm>>
      %dma_start3A_11 = tpu.memref_squeeze %dma_start3A_10 : memref<1x79x128xi32, #tpu.memory_space<hbm>> -> memref<79x128xi32, #tpu.memory_space<hbm>>
      %dma_start3A_12 = arith.constant 0 : i32
      %dma_start3A_13 = arith.constant 0 : i32
      %dma_start3A_14 = tpu.memref_slice %arg2[%add3A, %dma_start3A_12, %dma_start3A_13] : memref<32x79x128xi32, #tpu.memory_space<hbm>> -> memref<1x79x128xi32, #tpu.memory_space<hbm>>
      %dma_start3A_15 = tpu.memref_squeeze %dma_start3A_14 : memref<1x79x128xi32, #tpu.memory_space<hbm>> -> memref<79x128xi32, #tpu.memory_space<hbm>>
      tpu.enqueue_dma source(%dma_start3A_15 : memref<79x128xi32, #tpu.memory_space<hbm>>) target(%arg6 : memref<79x128xi32, #tpu.memory_space<vmem>>) target_semaphore(%run_scoped3A : memref<!tpu.dma_semaphore, #tpu.memory_space<semaphore_mem>>)
      %dma_wait3A = arith.constant 0 : i32
      %dma_wait3A_16 = arith.constant 0 : i32
      %dma_wait3A_17 = tpu.memref_slice %arg2[%add3A, %dma_wait3A, %dma_wait3A_16] : memref<32x79x128xi32, #tpu.memory_space<hbm>> -> memref<1x79x128xi32, #tpu.memory_space<hbm>>
      %dma_wait3A_18 = tpu.memref_squeeze %dma_wait3A_17 : memref<1x79x128xi32, #tpu.memory_space<hbm>> -> memref<79x128xi32, #tpu.memory_space<hbm>>
      %dma_wait3A_19 = arith.constant 0 : i32
      %dma_wait3A_20 = arith.constant 0 : i32
      %dma_wait3A_21 = tpu.memref_slice %arg2[%add3A, %dma_wait3A_19, %dma_wait3A_20] : memref<32x79x128xi32, #tpu.memory_space<hbm>> -> memref<1x79x128xi32, #tpu.memory_space<hbm>>
      %dma_wait3A_22 = tpu.memref_squeeze %dma_wait3A_21 : memref<1x79x128xi32, #tpu.memory_space<hbm>> -> memref<79x128xi32, #tpu.memory_space<hbm>>
      tpu.wait_dma2 semaphore(%run_scoped3A : memref<!tpu.dma_semaphore, #tpu.memory_space<semaphore_mem>>) src(%dma_wait3A_22 : memref<79x128xi32, #tpu.memory_space<hbm>>) dst(%arg6 : memref<79x128xi32, #tpu.memory_space<vmem>>)
      tpu.yield
    }) : () -> ()
    %barrier3A = arith.constant 0 : index
    tpu.barrier barrier_id(%barrier3A)
    %scan3A = arith.constant 0 : i32
    %scan3A_3 = arith.constant 0 : i32
    %scan3A_4 = arith.constant 79 : i32
    %scan3A_5 = arith.addi %scan3A_3, %scan3A_4 : i32
    %scan3A_6 = arith.constant 1 : i32
    scf.for %scan3A_9 = %scan3A_3 to %scan3A_5 step %scan3A_6  : i32 {
      "tpu.region"() ({
        %run_scoped3A = tpu.sem_alloc : memref<!tpu.dma_semaphore, #tpu.memory_space<semaphore_mem>>
        %dma_start3A = arith.constant 0 : i32
        %dma_start3A_10 = tpu.memref_slice %arg6[%scan3A_9, %dma_start3A] : memref<79x128xi32, #tpu.memory_space<vmem>> -> memref<1x128xi32, #tpu.memory_space<vmem>>
        %dma_start3A_11 = tpu.memref_squeeze %dma_start3A_10 : memref<1x128xi32, #tpu.memory_space<vmem>> -> memref<128xi32, #tpu.memory_space<vmem>>
        %dma_start3A_12 = arith.constant 0 : i32
        %dma_start3A_13 = arith.constant 0 : i32
        %dma_start3A_14 = tpu.memref_slice %arg8[%dma_start3A_12, %dma_start3A_13] : memref<10240x128xf32, #tpu.memory_space<vmem_shared>> -> memref<10240x128xf32, #tpu.memory_space<vmem_shared>>
        tpu.enqueue_indirect_dma source(%arg7 : memref<128x128xf32, #tpu.memory_space<vmem>>) target(%dma_start3A_14 : memref<10240x128xf32, #tpu.memory_space<vmem_shared>>) offsets(%dma_start3A_11 : memref<128xi32, #tpu.memory_space<vmem>>) semaphore(%run_scoped3A : memref<!tpu.dma_semaphore, #tpu.memory_space<semaphore_mem>>) {add = true}
        %dma_wait3A = arith.constant 0 : i32
        %dma_wait3A_15 = tpu.memref_slice %arg6[%scan3A_9, %dma_wait3A] : memref<79x128xi32, #tpu.memory_space<vmem>> -> memref<1x128xi32, #tpu.memory_space<vmem>>
        %dma_wait3A_16 = tpu.memref_squeeze %dma_wait3A_15 : memref<1x128xi32, #tpu.memory_space<vmem>> -> memref<128xi32, #tpu.memory_space<vmem>>
        %dma_wait3A_17 = arith.constant 0 : i32
        %dma_wait3A_18 = arith.constant 0 : i32
        %dma_wait3A_19 = tpu.memref_slice %arg8[%dma_wait3A_17, %dma_wait3A_18] : memref<10240x128xf32, #tpu.memory_space<vmem_shared>> -> memref<10240x128xf32, #tpu.memory_space<vmem_shared>>
        tpu.wait_indirect_dma semaphore(%run_scoped3A : memref<!tpu.dma_semaphore, #tpu.memory_space<semaphore_mem>>) src(%arg7 : memref<128x128xf32, #tpu.memory_space<vmem>>) dst(%dma_wait3A_19 : memref<10240x128xf32, #tpu.memory_space<vmem_shared>>)
        tpu.yield
      }) : () -> ()
    }
    %scan3A_7 = arith.constant 79 : i32
    %barrier3A_8 = arith.constant 0 : index
    tpu.barrier barrier_id(%barrier3A_8)
    "tpu.region"() ({
      %run_scoped3A = tpu.sem_alloc : memref<!tpu.dma_semaphore, #tpu.memory_space<semaphore_mem>>
      %dma_start3A = arith.constant 0 : i32
      %dma_start3A_9 = tpu.memref_slice %arg5[%arg0, %mul3A_2, %dma_start3A] : memref<2x10240x128xf32, #tpu.memory_space<hbm>> -> memref<1x640x128xf32, #tpu.memory_space<hbm>>
      %dma_start3A_10 = tpu.memref_squeeze %dma_start3A_9 : memref<1x640x128xf32, #tpu.memory_space<hbm>> -> memref<640x128xf32, #tpu.memory_space<hbm>>
      %dma_start3A_11 = arith.constant 0 : i32
      %dma_start3A_12 = tpu.memref_slice %arg8[%mul3A_2, %dma_start3A_11] : memref<10240x128xf32, #tpu.memory_space<vmem_shared>> -> memref<640x128xf32, #tpu.memory_space<vmem_shared>>
      tpu.enqueue_dma source(%dma_start3A_12 : memref<640x128xf32, #tpu.memory_space<vmem_shared>>) target(%dma_start3A_10 : memref<640x128xf32, #tpu.memory_space<hbm>>) target_semaphore(%run_scoped3A : memref<!tpu.dma_semaphore, #tpu.memory_space<semaphore_mem>>)
      %dma_wait3A = arith.constant 0 : i32
      %dma_wait3A_13 = tpu.memref_slice %arg5[%arg0, %mul3A_2, %dma_wait3A] : memref<2x10240x128xf32, #tpu.memory_space<hbm>> -> memref<1x640x128xf32, #tpu.memory_space<hbm>>
      %dma_wait3A_14 = tpu.memref_squeeze %dma_wait3A_13 : memref<1x640x128xf32, #tpu.memory_space<hbm>> -> memref<640x128xf32, #tpu.memory_space<hbm>>
      %dma_wait3A_15 = arith.constant 0 : i32
      %dma_wait3A_16 = tpu.memref_slice %arg8[%mul3A_2, %dma_wait3A_15] : memref<10240x128xf32, #tpu.memory_space<vmem_shared>> -> memref<640x128xf32, #tpu.memory_space<vmem_shared>>
      tpu.wait_dma2 semaphore(%run_scoped3A : memref<!tpu.dma_semaphore, #tpu.memory_space<semaphore_mem>>) src(%dma_wait3A_16 : memref<640x128xf32, #tpu.memory_space<vmem_shared>>) dst(%dma_wait3A_14 : memref<640x128xf32, #tpu.memory_space<hbm>>)
      tpu.yield
    }) : () -> ()
    return
  }
}

#map = affine_map<(d0, d1) -> (0, 0)>
#map1 = affine_map<(d0, d1) -> (0, 0, 0, 0)>
#map2 = affine_map<(d0, d1) -> (0, 0, 0)>
module attributes {stable_mosaic.version = 14 : i64} {
  func.func @k(%arg0: i32, %arg1: i32, %arg2: memref<32x10112xi32, #tpu.memory_space<hbm>>, %arg3: memref<32x79x2x64xi32, #tpu.memory_space<hbm>>, %arg4: memref<10240x128xf32, #tpu.memory_space<hbm>>, %arg5: memref<10240x128xf32, #tpu.memory_space<hbm>>, %arg6: memref<2x10240x128xf32, #tpu.memory_space<hbm>>, %arg7: memref<10112xi32, #tpu.memory_space<vmem>>, %arg8: memref<79x2x64xi32, #tpu.memory_space<vmem>>, %arg9: memref<2x64x128xf32, #tpu.memory_space<vmem>>, %arg10: memref<10240x128xf32, #tpu.memory_space<vmem_shared>>, %arg11: memref<2x!tpu.dma_semaphore, #tpu.memory_space<semaphore_mem>>) attributes {dimension_semantics = [#tpu.dimension_semantics<core_parallel>, #tpu.dimension_semantics<subcore_parallel>], iteration_bounds = array<i64: 2, 16>, scalar_prefetch = 0 : i64, scratch_operands = 5 : i64, tpu.core_type = #tpu.core_type<sc_vector_subcore>, window_params = [{transform_indices = #map}, {transform_indices = #map1}, {transform_indices = #map}, {transform_indices = #map}, {transform_indices = #map2}]} {
    %mul3A = arith.constant 2 : i32
    %mul3A_0 = arith.muli %arg1, %mul3A : i32
    %add3A = arith.addi %mul3A_0, %arg0 : i32
    %mul3A_1 = arith.constant 640 : i32
    %mul3A_2 = arith.muli %arg1, %mul3A_1 : i32
    "tpu.region"() ({
      %run_scoped3A = tpu.sem_alloc : memref<!tpu.dma_semaphore, #tpu.memory_space<semaphore_mem>>
      %dma_start3A_21 = arith.constant 0 : i32
      %dma_start3A_22 = tpu.memref_slice %arg10[%mul3A_2, %dma_start3A_21] : memref<10240x128xf32, #tpu.memory_space<vmem_shared>> -> memref<640x128xf32, #tpu.memory_space<vmem_shared>>
      %dma_start3A_23 = arith.constant 0 : i32
      %dma_start3A_24 = tpu.memref_slice %arg5[%mul3A_2, %dma_start3A_23] : memref<10240x128xf32, #tpu.memory_space<hbm>> -> memref<640x128xf32, #tpu.memory_space<hbm>>
      tpu.enqueue_dma source(%dma_start3A_24 : memref<640x128xf32, #tpu.memory_space<hbm>>) target(%dma_start3A_22 : memref<640x128xf32, #tpu.memory_space<vmem_shared>>) target_semaphore(%run_scoped3A : memref<!tpu.dma_semaphore, #tpu.memory_space<semaphore_mem>>)
      %dma_wait3A = arith.constant 0 : i32
      %dma_wait3A_25 = tpu.memref_slice %arg10[%mul3A_2, %dma_wait3A] : memref<10240x128xf32, #tpu.memory_space<vmem_shared>> -> memref<640x128xf32, #tpu.memory_space<vmem_shared>>
      %dma_wait3A_26 = arith.constant 0 : i32
      %dma_wait3A_27 = tpu.memref_slice %arg5[%mul3A_2, %dma_wait3A_26] : memref<10240x128xf32, #tpu.memory_space<hbm>> -> memref<640x128xf32, #tpu.memory_space<hbm>>
      tpu.wait_dma2 semaphore(%run_scoped3A : memref<!tpu.dma_semaphore, #tpu.memory_space<semaphore_mem>>) src(%dma_wait3A_27 : memref<640x128xf32, #tpu.memory_space<hbm>>) dst(%dma_wait3A_25 : memref<640x128xf32, #tpu.memory_space<vmem_shared>>)
      tpu.yield
    }) : () -> ()
    "tpu.region"() ({
      %run_scoped3A = tpu.sem_alloc : memref<!tpu.dma_semaphore, #tpu.memory_space<semaphore_mem>>
      %dma_start3A_21 = arith.constant 0 : i32
      %dma_start3A_22 = tpu.memref_slice %arg2[%add3A, %dma_start3A_21] : memref<32x10112xi32, #tpu.memory_space<hbm>> -> memref<1x10112xi32, #tpu.memory_space<hbm>>
      %dma_start3A_23 = tpu.memref_squeeze %dma_start3A_22 : memref<1x10112xi32, #tpu.memory_space<hbm>> -> memref<10112xi32, #tpu.memory_space<hbm>>
      %dma_start3A_24 = arith.constant 0 : i32
      %dma_start3A_25 = tpu.memref_slice %arg2[%add3A, %dma_start3A_24] : memref<32x10112xi32, #tpu.memory_space<hbm>> -> memref<1x10112xi32, #tpu.memory_space<hbm>>
      %dma_start3A_26 = tpu.memref_squeeze %dma_start3A_25 : memref<1x10112xi32, #tpu.memory_space<hbm>> -> memref<10112xi32, #tpu.memory_space<hbm>>
      tpu.enqueue_dma source(%dma_start3A_26 : memref<10112xi32, #tpu.memory_space<hbm>>) target(%arg7 : memref<10112xi32, #tpu.memory_space<vmem>>) target_semaphore(%run_scoped3A : memref<!tpu.dma_semaphore, #tpu.memory_space<semaphore_mem>>)
      %dma_wait3A = arith.constant 0 : i32
      %dma_wait3A_27 = tpu.memref_slice %arg2[%add3A, %dma_wait3A] : memref<32x10112xi32, #tpu.memory_space<hbm>> -> memref<1x10112xi32, #tpu.memory_space<hbm>>
      %dma_wait3A_28 = tpu.memref_squeeze %dma_wait3A_27 : memref<1x10112xi32, #tpu.memory_space<hbm>> -> memref<10112xi32, #tpu.memory_space<hbm>>
      %dma_wait3A_29 = arith.constant 0 : i32
      %dma_wait3A_30 = tpu.memref_slice %arg2[%add3A, %dma_wait3A_29] : memref<32x10112xi32, #tpu.memory_space<hbm>> -> memref<1x10112xi32, #tpu.memory_space<hbm>>
      %dma_wait3A_31 = tpu.memref_squeeze %dma_wait3A_30 : memref<1x10112xi32, #tpu.memory_space<hbm>> -> memref<10112xi32, #tpu.memory_space<hbm>>
      tpu.wait_dma2 semaphore(%run_scoped3A : memref<!tpu.dma_semaphore, #tpu.memory_space<semaphore_mem>>) src(%dma_wait3A_31 : memref<10112xi32, #tpu.memory_space<hbm>>) dst(%arg7 : memref<10112xi32, #tpu.memory_space<vmem>>)
      tpu.yield
    }) : () -> ()
    "tpu.region"() ({
      %run_scoped3A = tpu.sem_alloc : memref<!tpu.dma_semaphore, #tpu.memory_space<semaphore_mem>>
      %dma_start3A_21 = arith.constant 0 : i32
      %dma_start3A_22 = arith.constant 0 : i32
      %dma_start3A_23 = arith.constant 0 : i32
      %dma_start3A_24 = tpu.memref_slice %arg3[%add3A, %dma_start3A_21, %dma_start3A_22, %dma_start3A_23] : memref<32x79x2x64xi32, #tpu.memory_space<hbm>> -> memref<1x79x2x64xi32, #tpu.memory_space<hbm>>
      %dma_start3A_25 = tpu.memref_squeeze %dma_start3A_24 : memref<1x79x2x64xi32, #tpu.memory_space<hbm>> -> memref<79x2x64xi32, #tpu.memory_space<hbm>>
      %dma_start3A_26 = arith.constant 0 : i32
      %dma_start3A_27 = arith.constant 0 : i32
      %dma_start3A_28 = arith.constant 0 : i32
      %dma_start3A_29 = tpu.memref_slice %arg3[%add3A, %dma_start3A_26, %dma_start3A_27, %dma_start3A_28] : memref<32x79x2x64xi32, #tpu.memory_space<hbm>> -> memref<1x79x2x64xi32, #tpu.memory_space<hbm>>
      %dma_start3A_30 = tpu.memref_squeeze %dma_start3A_29 : memref<1x79x2x64xi32, #tpu.memory_space<hbm>> -> memref<79x2x64xi32, #tpu.memory_space<hbm>>
      tpu.enqueue_dma source(%dma_start3A_30 : memref<79x2x64xi32, #tpu.memory_space<hbm>>) target(%arg8 : memref<79x2x64xi32, #tpu.memory_space<vmem>>) target_semaphore(%run_scoped3A : memref<!tpu.dma_semaphore, #tpu.memory_space<semaphore_mem>>)
      %dma_wait3A = arith.constant 0 : i32
      %dma_wait3A_31 = arith.constant 0 : i32
      %dma_wait3A_32 = arith.constant 0 : i32
      %dma_wait3A_33 = tpu.memref_slice %arg3[%add3A, %dma_wait3A, %dma_wait3A_31, %dma_wait3A_32] : memref<32x79x2x64xi32, #tpu.memory_space<hbm>> -> memref<1x79x2x64xi32, #tpu.memory_space<hbm>>
      %dma_wait3A_34 = tpu.memref_squeeze %dma_wait3A_33 : memref<1x79x2x64xi32, #tpu.memory_space<hbm>> -> memref<79x2x64xi32, #tpu.memory_space<hbm>>
      %dma_wait3A_35 = arith.constant 0 : i32
      %dma_wait3A_36 = arith.constant 0 : i32
      %dma_wait3A_37 = arith.constant 0 : i32
      %dma_wait3A_38 = tpu.memref_slice %arg3[%add3A, %dma_wait3A_35, %dma_wait3A_36, %dma_wait3A_37] : memref<32x79x2x64xi32, #tpu.memory_space<hbm>> -> memref<1x79x2x64xi32, #tpu.memory_space<hbm>>
      %dma_wait3A_39 = tpu.memref_squeeze %dma_wait3A_38 : memref<1x79x2x64xi32, #tpu.memory_space<hbm>> -> memref<79x2x64xi32, #tpu.memory_space<hbm>>
      tpu.wait_dma2 semaphore(%run_scoped3A : memref<!tpu.dma_semaphore, #tpu.memory_space<semaphore_mem>>) src(%dma_wait3A_39 : memref<79x2x64xi32, #tpu.memory_space<hbm>>) dst(%arg8 : memref<79x2x64xi32, #tpu.memory_space<vmem>>)
      tpu.yield
    }) : () -> ()
    %barrier3A = arith.constant 0 : index
    tpu.barrier barrier_id(%barrier3A)
    %dma_start3A = arith.constant 0 : i32
    %dma_start3A_3 = arith.constant 0 : i32
    %dma_start3A_4 = arith.constant 0 : i32
    %dma_start3A_5 = arith.constant 0 : i32
    %dma_start3A_6 = tpu.memref_slice %arg9[%dma_start3A, %dma_start3A_4, %dma_start3A_5] : memref<2x64x128xf32, #tpu.memory_space<vmem>> -> memref<1x64x128xf32, #tpu.memory_space<vmem>>
    %dma_start3A_7 = tpu.memref_squeeze %dma_start3A_6 : memref<1x64x128xf32, #tpu.memory_space<vmem>> -> memref<64x128xf32, #tpu.memory_space<vmem>>
    %dma_start3A_8 = arith.constant 0 : i32
    %dma_start3A_9 = tpu.memref_slice %arg7[%dma_start3A_8] : memref<10112xi32, #tpu.memory_space<vmem>> -> memref<64xi32, #tpu.memory_space<vmem>>
    %dma_start3A_10 = arith.constant 0 : i32
    %dma_start3A_11 = arith.constant 0 : i32
    %dma_start3A_12 = tpu.memref_slice %arg4[%dma_start3A_10, %dma_start3A_11] : memref<10240x128xf32, #tpu.memory_space<hbm>> -> memref<10240x128xf32, #tpu.memory_space<hbm>>
    %dma_start3A_13 = tpu.memref_slice %arg11[%dma_start3A_3] : memref<2x!tpu.dma_semaphore, #tpu.memory_space<semaphore_mem>> -> memref<1x!tpu.dma_semaphore, #tpu.memory_space<semaphore_mem>>
    %dma_start3A_14 = tpu.memref_squeeze %dma_start3A_13 : memref<1x!tpu.dma_semaphore, #tpu.memory_space<semaphore_mem>> -> memref<!tpu.dma_semaphore, #tpu.memory_space<semaphore_mem>>
    tpu.enqueue_indirect_dma source(%dma_start3A_12 : memref<10240x128xf32, #tpu.memory_space<hbm>>) target(%dma_start3A_7 : memref<64x128xf32, #tpu.memory_space<vmem>>) offsets(%dma_start3A_9 : memref<64xi32, #tpu.memory_space<vmem>>) semaphore(%dma_start3A_14 : memref<!tpu.dma_semaphore, #tpu.memory_space<semaphore_mem>>)
    %scan3A = arith.constant 0 : i32
    %scan3A_15 = arith.constant 0 : i32
    %scan3A_16 = arith.constant 158 : i32
    %scan3A_17 = arith.addi %scan3A_15, %scan3A_16 : i32
    %scan3A_18 = arith.constant 1 : i32
    scf.for %scan3A_21 = %scan3A_15 to %scan3A_17 step %scan3A_18  : i32 {
      %rem3A = arith.constant 2 : i32
      %rem3A_22 = arith.remsi %scan3A_21, %rem3A : i32
      %dma_wait3A = arith.constant 0 : i32
      %dma_wait3A_23 = arith.constant 0 : i32
      %dma_wait3A_24 = tpu.memref_slice %arg9[%rem3A_22, %dma_wait3A, %dma_wait3A_23] : memref<2x64x128xf32, #tpu.memory_space<vmem>> -> memref<1x64x128xf32, #tpu.memory_space<vmem>>
      %dma_wait3A_25 = tpu.memref_squeeze %dma_wait3A_24 : memref<1x64x128xf32, #tpu.memory_space<vmem>> -> memref<64x128xf32, #tpu.memory_space<vmem>>
      %dma_wait3A_26 = arith.constant 0 : i32
      %dma_wait3A_27 = tpu.memref_slice %arg7[%dma_wait3A_26] : memref<10112xi32, #tpu.memory_space<vmem>> -> memref<64xi32, #tpu.memory_space<vmem>>
      %dma_wait3A_28 = arith.constant 0 : i32
      %dma_wait3A_29 = arith.constant 0 : i32
      %dma_wait3A_30 = tpu.memref_slice %arg4[%dma_wait3A_28, %dma_wait3A_29] : memref<10240x128xf32, #tpu.memory_space<hbm>> -> memref<10240x128xf32, #tpu.memory_space<hbm>>
      %dma_wait3A_31 = tpu.memref_slice %arg11[%rem3A_22] : memref<2x!tpu.dma_semaphore, #tpu.memory_space<semaphore_mem>> -> memref<1x!tpu.dma_semaphore, #tpu.memory_space<semaphore_mem>>
      %dma_wait3A_32 = tpu.memref_squeeze %dma_wait3A_31 : memref<1x!tpu.dma_semaphore, #tpu.memory_space<semaphore_mem>> -> memref<!tpu.dma_semaphore, #tpu.memory_space<semaphore_mem>>
      tpu.wait_indirect_dma semaphore(%dma_wait3A_32 : memref<!tpu.dma_semaphore, #tpu.memory_space<semaphore_mem>>) src(%dma_wait3A_30 : memref<10240x128xf32, #tpu.memory_space<hbm>>) dst(%dma_wait3A_25 : memref<64x128xf32, #tpu.memory_space<vmem>>)
      %add3A_33 = arith.constant 1 : i32
      %add3A_34 = arith.addi %scan3A_21, %add3A_33 : i32
      %lt3A = arith.constant 158 : i32
      %lt3A_35 = arith.cmpi slt, %add3A_34, %lt3A : i32
      %convert_element_type3A = arith.extui %lt3A_35 : i1 to i32
      %cond3A = arith.constant 0 : i32
      %cond3A_36 = arith.cmpi ne, %convert_element_type3A, %cond3A : i32
      scf.if %cond3A_36 {
        %add3A_40 = arith.constant 1 : i32
        %add3A_41 = arith.addi %scan3A_21, %add3A_40 : i32
        %mul3A_42 = arith.constant 64 : i32
        %mul3A_43 = arith.muli %add3A_41, %mul3A_42 : i32
        %sub3A = arith.constant 1 : i32
        %sub3A_44 = arith.subi %sub3A, %rem3A_22 : i32
        %sub3A_45 = arith.constant 1 : i32
        %sub3A_46 = arith.subi %sub3A_45, %rem3A_22 : i32
        %dma_start3A_47 = arith.constant 0 : i32
        %dma_start3A_48 = arith.constant 0 : i32
        %dma_start3A_49 = tpu.memref_slice %arg9[%sub3A_44, %dma_start3A_47, %dma_start3A_48] : memref<2x64x128xf32, #tpu.memory_space<vmem>> -> memref<1x64x128xf32, #tpu.memory_space<vmem>>
        %dma_start3A_50 = tpu.memref_squeeze %dma_start3A_49 : memref<1x64x128xf32, #tpu.memory_space<vmem>> -> memref<64x128xf32, #tpu.memory_space<vmem>>
        %dma_start3A_51 = tpu.memref_slice %arg7[%mul3A_43] : memref<10112xi32, #tpu.memory_space<vmem>> -> memref<64xi32, #tpu.memory_space<vmem>>
        %dma_start3A_52 = arith.constant 0 : i32
        %dma_start3A_53 = arith.constant 0 : i32
        %dma_start3A_54 = tpu.memref_slice %arg4[%dma_start3A_52, %dma_start3A_53] : memref<10240x128xf32, #tpu.memory_space<hbm>> -> memref<10240x128xf32, #tpu.memory_space<hbm>>
        %dma_start3A_55 = tpu.memref_slice %arg11[%sub3A_46] : memref<2x!tpu.dma_semaphore, #tpu.memory_space<semaphore_mem>> -> memref<1x!tpu.dma_semaphore, #tpu.memory_space<semaphore_mem>>
        %dma_start3A_56 = tpu.memref_squeeze %dma_start3A_55 : memref<1x!tpu.dma_semaphore, #tpu.memory_space<semaphore_mem>> -> memref<!tpu.dma_semaphore, #tpu.memory_space<semaphore_mem>>
        tpu.enqueue_indirect_dma source(%dma_start3A_54 : memref<10240x128xf32, #tpu.memory_space<hbm>>) target(%dma_start3A_50 : memref<64x128xf32, #tpu.memory_space<vmem>>) offsets(%dma_start3A_51 : memref<64xi32, #tpu.memory_space<vmem>>) semaphore(%dma_start3A_56 : memref<!tpu.dma_semaphore, #tpu.memory_space<semaphore_mem>>)
      } else {
      }
      %div3A = arith.constant 2 : i32
      %div3A_37 = arith.divsi %scan3A_21, %div3A : i32
      %rem3A_38 = arith.constant 2 : i32
      %rem3A_39 = arith.remsi %scan3A_21, %rem3A_38 : i32
      "tpu.region"() ({
        %run_scoped3A = tpu.sem_alloc : memref<!tpu.dma_semaphore, #tpu.memory_space<semaphore_mem>>
        %dma_start3A_40 = arith.constant 0 : i32
        %dma_start3A_41 = arith.constant 0 : i32
        %dma_start3A_42 = tpu.memref_slice %arg9[%rem3A_22, %dma_start3A_40, %dma_start3A_41] : memref<2x64x128xf32, #tpu.memory_space<vmem>> -> memref<1x64x128xf32, #tpu.memory_space<vmem>>
        %dma_start3A_43 = tpu.memref_squeeze %dma_start3A_42 : memref<1x64x128xf32, #tpu.memory_space<vmem>> -> memref<64x128xf32, #tpu.memory_space<vmem>>
        %dma_start3A_44 = arith.constant 0 : i32
        %dma_start3A_45 = tpu.memref_slice %arg8[%div3A_37, %rem3A_39, %dma_start3A_44] : memref<79x2x64xi32, #tpu.memory_space<vmem>> -> memref<1x1x64xi32, #tpu.memory_space<vmem>>
        %dma_start3A_46 = tpu.memref_squeeze %dma_start3A_45 : memref<1x1x64xi32, #tpu.memory_space<vmem>> -> memref<64xi32, #tpu.memory_space<vmem>>
        %dma_start3A_47 = arith.constant 0 : i32
        %dma_start3A_48 = arith.constant 0 : i32
        %dma_start3A_49 = tpu.memref_slice %arg10[%dma_start3A_47, %dma_start3A_48] : memref<10240x128xf32, #tpu.memory_space<vmem_shared>> -> memref<10240x128xf32, #tpu.memory_space<vmem_shared>>
        tpu.enqueue_indirect_dma source(%dma_start3A_43 : memref<64x128xf32, #tpu.memory_space<vmem>>) target(%dma_start3A_49 : memref<10240x128xf32, #tpu.memory_space<vmem_shared>>) offsets(%dma_start3A_46 : memref<64xi32, #tpu.memory_space<vmem>>) semaphore(%run_scoped3A : memref<!tpu.dma_semaphore, #tpu.memory_space<semaphore_mem>>) {add = true}
        %dma_wait3A_50 = arith.constant 0 : i32
        %dma_wait3A_51 = arith.constant 0 : i32
        %dma_wait3A_52 = tpu.memref_slice %arg9[%rem3A_22, %dma_wait3A_50, %dma_wait3A_51] : memref<2x64x128xf32, #tpu.memory_space<vmem>> -> memref<1x64x128xf32, #tpu.memory_space<vmem>>
        %dma_wait3A_53 = tpu.memref_squeeze %dma_wait3A_52 : memref<1x64x128xf32, #tpu.memory_space<vmem>> -> memref<64x128xf32, #tpu.memory_space<vmem>>
        %dma_wait3A_54 = arith.constant 0 : i32
        %dma_wait3A_55 = tpu.memref_slice %arg8[%div3A_37, %rem3A_39, %dma_wait3A_54] : memref<79x2x64xi32, #tpu.memory_space<vmem>> -> memref<1x1x64xi32, #tpu.memory_space<vmem>>
        %dma_wait3A_56 = tpu.memref_squeeze %dma_wait3A_55 : memref<1x1x64xi32, #tpu.memory_space<vmem>> -> memref<64xi32, #tpu.memory_space<vmem>>
        %dma_wait3A_57 = arith.constant 0 : i32
        %dma_wait3A_58 = arith.constant 0 : i32
        %dma_wait3A_59 = tpu.memref_slice %arg10[%dma_wait3A_57, %dma_wait3A_58] : memref<10240x128xf32, #tpu.memory_space<vmem_shared>> -> memref<10240x128xf32, #tpu.memory_space<vmem_shared>>
        tpu.wait_indirect_dma semaphore(%run_scoped3A : memref<!tpu.dma_semaphore, #tpu.memory_space<semaphore_mem>>) src(%dma_wait3A_53 : memref<64x128xf32, #tpu.memory_space<vmem>>) dst(%dma_wait3A_59 : memref<10240x128xf32, #tpu.memory_space<vmem_shared>>)
        tpu.yield
      }) : () -> ()
    }
    %scan3A_19 = arith.constant 158 : i32
    %barrier3A_20 = arith.constant 0 : index
    tpu.barrier barrier_id(%barrier3A_20)
    "tpu.region"() ({
      %run_scoped3A = tpu.sem_alloc : memref<!tpu.dma_semaphore, #tpu.memory_space<semaphore_mem>>
      %dma_start3A_21 = arith.constant 0 : i32
      %dma_start3A_22 = tpu.memref_slice %arg6[%arg0, %mul3A_2, %dma_start3A_21] : memref<2x10240x128xf32, #tpu.memory_space<hbm>> -> memref<1x640x128xf32, #tpu.memory_space<hbm>>
      %dma_start3A_23 = tpu.memref_squeeze %dma_start3A_22 : memref<1x640x128xf32, #tpu.memory_space<hbm>> -> memref<640x128xf32, #tpu.memory_space<hbm>>
      %dma_start3A_24 = arith.constant 0 : i32
      %dma_start3A_25 = tpu.memref_slice %arg10[%mul3A_2, %dma_start3A_24] : memref<10240x128xf32, #tpu.memory_space<vmem_shared>> -> memref<640x128xf32, #tpu.memory_space<vmem_shared>>
      tpu.enqueue_dma source(%dma_start3A_25 : memref<640x128xf32, #tpu.memory_space<vmem_shared>>) target(%dma_start3A_23 : memref<640x128xf32, #tpu.memory_space<hbm>>) target_semaphore(%run_scoped3A : memref<!tpu.dma_semaphore, #tpu.memory_space<semaphore_mem>>)
      %dma_wait3A = arith.constant 0 : i32
      %dma_wait3A_26 = tpu.memref_slice %arg6[%arg0, %mul3A_2, %dma_wait3A] : memref<2x10240x128xf32, #tpu.memory_space<hbm>> -> memref<1x640x128xf32, #tpu.memory_space<hbm>>
      %dma_wait3A_27 = tpu.memref_squeeze %dma_wait3A_26 : memref<1x640x128xf32, #tpu.memory_space<hbm>> -> memref<640x128xf32, #tpu.memory_space<hbm>>
      %dma_wait3A_28 = arith.constant 0 : i32
      %dma_wait3A_29 = tpu.memref_slice %arg10[%mul3A_2, %dma_wait3A_28] : memref<10240x128xf32, #tpu.memory_space<vmem_shared>> -> memref<640x128xf32, #tpu.memory_space<vmem_shared>>
      tpu.wait_dma2 semaphore(%run_scoped3A : memref<!tpu.dma_semaphore, #tpu.memory_space<semaphore_mem>>) src(%dma_wait3A_29 : memref<640x128xf32, #tpu.memory_space<vmem_shared>>) dst(%dma_wait3A_27 : memref<640x128xf32, #tpu.memory_space<hbm>>)
      tpu.yield
    }) : () -> ()
    return
  }
}

#map = affine_map<(d0, d1) -> (0, 0)>
#map1 = affine_map<(d0, d1) -> (0, 0, 0, 0)>
#map2 = affine_map<(d0, d1) -> (0, 0, 0)>
module attributes {stable_mosaic.version = 14 : i64} {
  func.func @k(%arg0: i32, %arg1: i32, %arg2: memref<32x10112xi32, #tpu.memory_space<hbm>>, %arg3: memref<32x79x2x64xi32, #tpu.memory_space<hbm>>, %arg4: memref<10240x128xf32, #tpu.memory_space<hbm>>, %arg5: memref<10240x128xf32, #tpu.memory_space<hbm>>, %arg6: memref<2x10240x128xf32, #tpu.memory_space<hbm>>, %arg7: memref<10112xi32, #tpu.memory_space<vmem>>, %arg8: memref<79x2x64xi32, #tpu.memory_space<vmem>>, %arg9: memref<2x64x128xf32, #tpu.memory_space<vmem>>, %arg10: memref<10240x128xf32, #tpu.memory_space<vmem_shared>>, %arg11: memref<2x!tpu.dma_semaphore, #tpu.memory_space<semaphore_mem>>) attributes {dimension_semantics = [#tpu.dimension_semantics<core_parallel>, #tpu.dimension_semantics<subcore_parallel>], iteration_bounds = array<i64: 2, 16>, scalar_prefetch = 0 : i64, scratch_operands = 5 : i64, tpu.core_type = #tpu.core_type<sc_vector_subcore>, window_params = [{transform_indices = #map}, {transform_indices = #map1}, {transform_indices = #map}, {transform_indices = #map}, {transform_indices = #map2}]} {
    %mul3A = arith.constant 2 : i32
    %mul3A_0 = arith.muli %arg1, %mul3A : i32
    %add3A = arith.addi %mul3A_0, %arg0 : i32
    %mul3A_1 = arith.constant 640 : i32
    %mul3A_2 = arith.muli %arg1, %mul3A_1 : i32
    "tpu.region"() ({
      %run_scoped3A = tpu.sem_alloc : memref<!tpu.dma_semaphore, #tpu.memory_space<semaphore_mem>>
      %dma_start3A_21 = arith.constant 0 : i32
      %dma_start3A_22 = tpu.memref_slice %arg10[%mul3A_2, %dma_start3A_21] : memref<10240x128xf32, #tpu.memory_space<vmem_shared>> -> memref<640x128xf32, #tpu.memory_space<vmem_shared>>
      %dma_start3A_23 = arith.constant 0 : i32
      %dma_start3A_24 = tpu.memref_slice %arg5[%mul3A_2, %dma_start3A_23] : memref<10240x128xf32, #tpu.memory_space<hbm>> -> memref<640x128xf32, #tpu.memory_space<hbm>>
      tpu.enqueue_dma source(%dma_start3A_24 : memref<640x128xf32, #tpu.memory_space<hbm>>) target(%dma_start3A_22 : memref<640x128xf32, #tpu.memory_space<vmem_shared>>) target_semaphore(%run_scoped3A : memref<!tpu.dma_semaphore, #tpu.memory_space<semaphore_mem>>)
      %dma_wait3A = arith.constant 0 : i32
      %dma_wait3A_25 = tpu.memref_slice %arg10[%mul3A_2, %dma_wait3A] : memref<10240x128xf32, #tpu.memory_space<vmem_shared>> -> memref<640x128xf32, #tpu.memory_space<vmem_shared>>
      %dma_wait3A_26 = arith.constant 0 : i32
      %dma_wait3A_27 = tpu.memref_slice %arg5[%mul3A_2, %dma_wait3A_26] : memref<10240x128xf32, #tpu.memory_space<hbm>> -> memref<640x128xf32, #tpu.memory_space<hbm>>
      tpu.wait_dma2 semaphore(%run_scoped3A : memref<!tpu.dma_semaphore, #tpu.memory_space<semaphore_mem>>) src(%dma_wait3A_27 : memref<640x128xf32, #tpu.memory_space<hbm>>) dst(%dma_wait3A_25 : memref<640x128xf32, #tpu.memory_space<vmem_shared>>)
      tpu.yield
    }) : () -> ()
    "tpu.region"() ({
      %run_scoped3A = tpu.sem_alloc : memref<!tpu.dma_semaphore, #tpu.memory_space<semaphore_mem>>
      %dma_start3A_21 = arith.constant 0 : i32
      %dma_start3A_22 = tpu.memref_slice %arg2[%add3A, %dma_start3A_21] : memref<32x10112xi32, #tpu.memory_space<hbm>> -> memref<1x10112xi32, #tpu.memory_space<hbm>>
      %dma_start3A_23 = tpu.memref_squeeze %dma_start3A_22 : memref<1x10112xi32, #tpu.memory_space<hbm>> -> memref<10112xi32, #tpu.memory_space<hbm>>
      %dma_start3A_24 = arith.constant 0 : i32
      %dma_start3A_25 = tpu.memref_slice %arg2[%add3A, %dma_start3A_24] : memref<32x10112xi32, #tpu.memory_space<hbm>> -> memref<1x10112xi32, #tpu.memory_space<hbm>>
      %dma_start3A_26 = tpu.memref_squeeze %dma_start3A_25 : memref<1x10112xi32, #tpu.memory_space<hbm>> -> memref<10112xi32, #tpu.memory_space<hbm>>
      tpu.enqueue_dma source(%dma_start3A_26 : memref<10112xi32, #tpu.memory_space<hbm>>) target(%arg7 : memref<10112xi32, #tpu.memory_space<vmem>>) target_semaphore(%run_scoped3A : memref<!tpu.dma_semaphore, #tpu.memory_space<semaphore_mem>>)
      %dma_wait3A = arith.constant 0 : i32
      %dma_wait3A_27 = tpu.memref_slice %arg2[%add3A, %dma_wait3A] : memref<32x10112xi32, #tpu.memory_space<hbm>> -> memref<1x10112xi32, #tpu.memory_space<hbm>>
      %dma_wait3A_28 = tpu.memref_squeeze %dma_wait3A_27 : memref<1x10112xi32, #tpu.memory_space<hbm>> -> memref<10112xi32, #tpu.memory_space<hbm>>
      %dma_wait3A_29 = arith.constant 0 : i32
      %dma_wait3A_30 = tpu.memref_slice %arg2[%add3A, %dma_wait3A_29] : memref<32x10112xi32, #tpu.memory_space<hbm>> -> memref<1x10112xi32, #tpu.memory_space<hbm>>
      %dma_wait3A_31 = tpu.memref_squeeze %dma_wait3A_30 : memref<1x10112xi32, #tpu.memory_space<hbm>> -> memref<10112xi32, #tpu.memory_space<hbm>>
      tpu.wait_dma2 semaphore(%run_scoped3A : memref<!tpu.dma_semaphore, #tpu.memory_space<semaphore_mem>>) src(%dma_wait3A_31 : memref<10112xi32, #tpu.memory_space<hbm>>) dst(%arg7 : memref<10112xi32, #tpu.memory_space<vmem>>)
      tpu.yield
    }) : () -> ()
    "tpu.region"() ({
      %run_scoped3A = tpu.sem_alloc : memref<!tpu.dma_semaphore, #tpu.memory_space<semaphore_mem>>
      %dma_start3A_21 = arith.constant 0 : i32
      %dma_start3A_22 = arith.constant 0 : i32
      %dma_start3A_23 = arith.constant 0 : i32
      %dma_start3A_24 = tpu.memref_slice %arg3[%add3A, %dma_start3A_21, %dma_start3A_22, %dma_start3A_23] : memref<32x79x2x64xi32, #tpu.memory_space<hbm>> -> memref<1x79x2x64xi32, #tpu.memory_space<hbm>>
      %dma_start3A_25 = tpu.memref_squeeze %dma_start3A_24 : memref<1x79x2x64xi32, #tpu.memory_space<hbm>> -> memref<79x2x64xi32, #tpu.memory_space<hbm>>
      %dma_start3A_26 = arith.constant 0 : i32
      %dma_start3A_27 = arith.constant 0 : i32
      %dma_start3A_28 = arith.constant 0 : i32
      %dma_start3A_29 = tpu.memref_slice %arg3[%add3A, %dma_start3A_26, %dma_start3A_27, %dma_start3A_28] : memref<32x79x2x64xi32, #tpu.memory_space<hbm>> -> memref<1x79x2x64xi32, #tpu.memory_space<hbm>>
      %dma_start3A_30 = tpu.memref_squeeze %dma_start3A_29 : memref<1x79x2x64xi32, #tpu.memory_space<hbm>> -> memref<79x2x64xi32, #tpu.memory_space<hbm>>
      tpu.enqueue_dma source(%dma_start3A_30 : memref<79x2x64xi32, #tpu.memory_space<hbm>>) target(%arg8 : memref<79x2x64xi32, #tpu.memory_space<vmem>>) target_semaphore(%run_scoped3A : memref<!tpu.dma_semaphore, #tpu.memory_space<semaphore_mem>>)
      %dma_wait3A = arith.constant 0 : i32
      %dma_wait3A_31 = arith.constant 0 : i32
      %dma_wait3A_32 = arith.constant 0 : i32
      %dma_wait3A_33 = tpu.memref_slice %arg3[%add3A, %dma_wait3A, %dma_wait3A_31, %dma_wait3A_32] : memref<32x79x2x64xi32, #tpu.memory_space<hbm>> -> memref<1x79x2x64xi32, #tpu.memory_space<hbm>>
      %dma_wait3A_34 = tpu.memref_squeeze %dma_wait3A_33 : memref<1x79x2x64xi32, #tpu.memory_space<hbm>> -> memref<79x2x64xi32, #tpu.memory_space<hbm>>
      %dma_wait3A_35 = arith.constant 0 : i32
      %dma_wait3A_36 = arith.constant 0 : i32
      %dma_wait3A_37 = arith.constant 0 : i32
      %dma_wait3A_38 = tpu.memref_slice %arg3[%add3A, %dma_wait3A_35, %dma_wait3A_36, %dma_wait3A_37] : memref<32x79x2x64xi32, #tpu.memory_space<hbm>> -> memref<1x79x2x64xi32, #tpu.memory_space<hbm>>
      %dma_wait3A_39 = tpu.memref_squeeze %dma_wait3A_38 : memref<1x79x2x64xi32, #tpu.memory_space<hbm>> -> memref<79x2x64xi32, #tpu.memory_space<hbm>>
      tpu.wait_dma2 semaphore(%run_scoped3A : memref<!tpu.dma_semaphore, #tpu.memory_space<semaphore_mem>>) src(%dma_wait3A_39 : memref<79x2x64xi32, #tpu.memory_space<hbm>>) dst(%arg8 : memref<79x2x64xi32, #tpu.memory_space<vmem>>)
      tpu.yield
    }) : () -> ()
    %barrier3A = arith.constant 0 : index
    tpu.barrier barrier_id(%barrier3A)
    %dma_start3A = arith.constant 0 : i32
    %dma_start3A_3 = arith.constant 0 : i32
    %dma_start3A_4 = arith.constant 0 : i32
    %dma_start3A_5 = arith.constant 0 : i32
    %dma_start3A_6 = tpu.memref_slice %arg9[%dma_start3A, %dma_start3A_4, %dma_start3A_5] : memref<2x64x128xf32, #tpu.memory_space<vmem>> -> memref<1x64x128xf32, #tpu.memory_space<vmem>>
    %dma_start3A_7 = tpu.memref_squeeze %dma_start3A_6 : memref<1x64x128xf32, #tpu.memory_space<vmem>> -> memref<64x128xf32, #tpu.memory_space<vmem>>
    %dma_start3A_8 = arith.constant 0 : i32
    %dma_start3A_9 = tpu.memref_slice %arg7[%dma_start3A_8] : memref<10112xi32, #tpu.memory_space<vmem>> -> memref<64xi32, #tpu.memory_space<vmem>>
    %dma_start3A_10 = arith.constant 0 : i32
    %dma_start3A_11 = arith.constant 0 : i32
    %dma_start3A_12 = tpu.memref_slice %arg4[%dma_start3A_10, %dma_start3A_11] : memref<10240x128xf32, #tpu.memory_space<hbm>> -> memref<10240x128xf32, #tpu.memory_space<hbm>>
    %dma_start3A_13 = tpu.memref_slice %arg11[%dma_start3A_3] : memref<2x!tpu.dma_semaphore, #tpu.memory_space<semaphore_mem>> -> memref<1x!tpu.dma_semaphore, #tpu.memory_space<semaphore_mem>>
    %dma_start3A_14 = tpu.memref_squeeze %dma_start3A_13 : memref<1x!tpu.dma_semaphore, #tpu.memory_space<semaphore_mem>> -> memref<!tpu.dma_semaphore, #tpu.memory_space<semaphore_mem>>
    tpu.enqueue_indirect_dma source(%dma_start3A_12 : memref<10240x128xf32, #tpu.memory_space<hbm>>) target(%dma_start3A_7 : memref<64x128xf32, #tpu.memory_space<vmem>>) offsets(%dma_start3A_9 : memref<64xi32, #tpu.memory_space<vmem>>) semaphore(%dma_start3A_14 : memref<!tpu.dma_semaphore, #tpu.memory_space<semaphore_mem>>)
    %scan3A = arith.constant 0 : i32
    %scan3A_15 = arith.constant 0 : i32
    %scan3A_16 = arith.constant 158 : i32
    %scan3A_17 = arith.addi %scan3A_15, %scan3A_16 : i32
    %scan3A_18 = arith.constant 1 : i32
    scf.for %scan3A_21 = %scan3A_15 to %scan3A_17 step %scan3A_18  : i32 {
      %rem3A = arith.constant 2 : i32
      %rem3A_22 = arith.remsi %scan3A_21, %rem3A : i32
      %dma_wait3A = arith.constant 0 : i32
      %dma_wait3A_23 = arith.constant 0 : i32
      %dma_wait3A_24 = tpu.memref_slice %arg9[%rem3A_22, %dma_wait3A, %dma_wait3A_23] : memref<2x64x128xf32, #tpu.memory_space<vmem>> -> memref<1x64x128xf32, #tpu.memory_space<vmem>>
      %dma_wait3A_25 = tpu.memref_squeeze %dma_wait3A_24 : memref<1x64x128xf32, #tpu.memory_space<vmem>> -> memref<64x128xf32, #tpu.memory_space<vmem>>
      %dma_wait3A_26 = arith.constant 0 : i32
      %dma_wait3A_27 = tpu.memref_slice %arg7[%dma_wait3A_26] : memref<10112xi32, #tpu.memory_space<vmem>> -> memref<64xi32, #tpu.memory_space<vmem>>
      %dma_wait3A_28 = arith.constant 0 : i32
      %dma_wait3A_29 = arith.constant 0 : i32
      %dma_wait3A_30 = tpu.memref_slice %arg4[%dma_wait3A_28, %dma_wait3A_29] : memref<10240x128xf32, #tpu.memory_space<hbm>> -> memref<10240x128xf32, #tpu.memory_space<hbm>>
      %dma_wait3A_31 = tpu.memref_slice %arg11[%rem3A_22] : memref<2x!tpu.dma_semaphore, #tpu.memory_space<semaphore_mem>> -> memref<1x!tpu.dma_semaphore, #tpu.memory_space<semaphore_mem>>
      %dma_wait3A_32 = tpu.memref_squeeze %dma_wait3A_31 : memref<1x!tpu.dma_semaphore, #tpu.memory_space<semaphore_mem>> -> memref<!tpu.dma_semaphore, #tpu.memory_space<semaphore_mem>>
      tpu.wait_indirect_dma semaphore(%dma_wait3A_32 : memref<!tpu.dma_semaphore, #tpu.memory_space<semaphore_mem>>) src(%dma_wait3A_30 : memref<10240x128xf32, #tpu.memory_space<hbm>>) dst(%dma_wait3A_25 : memref<64x128xf32, #tpu.memory_space<vmem>>)
      %add3A_33 = arith.constant 1 : i32
      %add3A_34 = arith.addi %scan3A_21, %add3A_33 : i32
      %lt3A = arith.constant 158 : i32
      %lt3A_35 = arith.cmpi slt, %add3A_34, %lt3A : i32
      %convert_element_type3A = arith.extui %lt3A_35 : i1 to i32
      %cond3A = arith.constant 0 : i32
      %cond3A_36 = arith.cmpi ne, %convert_element_type3A, %cond3A : i32
      scf.if %cond3A_36 {
        %add3A_40 = arith.constant 1 : i32
        %add3A_41 = arith.addi %scan3A_21, %add3A_40 : i32
        %mul3A_42 = arith.constant 64 : i32
        %mul3A_43 = arith.muli %add3A_41, %mul3A_42 : i32
        %sub3A = arith.constant 1 : i32
        %sub3A_44 = arith.subi %sub3A, %rem3A_22 : i32
        %sub3A_45 = arith.constant 1 : i32
        %sub3A_46 = arith.subi %sub3A_45, %rem3A_22 : i32
        %dma_start3A_47 = arith.constant 0 : i32
        %dma_start3A_48 = arith.constant 0 : i32
        %dma_start3A_49 = tpu.memref_slice %arg9[%sub3A_44, %dma_start3A_47, %dma_start3A_48] : memref<2x64x128xf32, #tpu.memory_space<vmem>> -> memref<1x64x128xf32, #tpu.memory_space<vmem>>
        %dma_start3A_50 = tpu.memref_squeeze %dma_start3A_49 : memref<1x64x128xf32, #tpu.memory_space<vmem>> -> memref<64x128xf32, #tpu.memory_space<vmem>>
        %dma_start3A_51 = tpu.memref_slice %arg7[%mul3A_43] : memref<10112xi32, #tpu.memory_space<vmem>> -> memref<64xi32, #tpu.memory_space<vmem>>
        %dma_start3A_52 = arith.constant 0 : i32
        %dma_start3A_53 = arith.constant 0 : i32
        %dma_start3A_54 = tpu.memref_slice %arg4[%dma_start3A_52, %dma_start3A_53] : memref<10240x128xf32, #tpu.memory_space<hbm>> -> memref<10240x128xf32, #tpu.memory_space<hbm>>
        %dma_start3A_55 = tpu.memref_slice %arg11[%sub3A_46] : memref<2x!tpu.dma_semaphore, #tpu.memory_space<semaphore_mem>> -> memref<1x!tpu.dma_semaphore, #tpu.memory_space<semaphore_mem>>
        %dma_start3A_56 = tpu.memref_squeeze %dma_start3A_55 : memref<1x!tpu.dma_semaphore, #tpu.memory_space<semaphore_mem>> -> memref<!tpu.dma_semaphore, #tpu.memory_space<semaphore_mem>>
        tpu.enqueue_indirect_dma source(%dma_start3A_54 : memref<10240x128xf32, #tpu.memory_space<hbm>>) target(%dma_start3A_50 : memref<64x128xf32, #tpu.memory_space<vmem>>) offsets(%dma_start3A_51 : memref<64xi32, #tpu.memory_space<vmem>>) semaphore(%dma_start3A_56 : memref<!tpu.dma_semaphore, #tpu.memory_space<semaphore_mem>>)
      } else {
      }
      %div3A = arith.constant 2 : i32
      %div3A_37 = arith.divsi %scan3A_21, %div3A : i32
      %rem3A_38 = arith.constant 2 : i32
      %rem3A_39 = arith.remsi %scan3A_21, %rem3A_38 : i32
      "tpu.region"() ({
        %run_scoped3A = tpu.sem_alloc : memref<!tpu.dma_semaphore, #tpu.memory_space<semaphore_mem>>
        %dma_start3A_40 = arith.constant 0 : i32
        %dma_start3A_41 = arith.constant 0 : i32
        %dma_start3A_42 = tpu.memref_slice %arg9[%rem3A_22, %dma_start3A_40, %dma_start3A_41] : memref<2x64x128xf32, #tpu.memory_space<vmem>> -> memref<1x64x128xf32, #tpu.memory_space<vmem>>
        %dma_start3A_43 = tpu.memref_squeeze %dma_start3A_42 : memref<1x64x128xf32, #tpu.memory_space<vmem>> -> memref<64x128xf32, #tpu.memory_space<vmem>>
        %dma_start3A_44 = arith.constant 0 : i32
        %dma_start3A_45 = tpu.memref_slice %arg8[%div3A_37, %rem3A_39, %dma_start3A_44] : memref<79x2x64xi32, #tpu.memory_space<vmem>> -> memref<1x1x64xi32, #tpu.memory_space<vmem>>
        %dma_start3A_46 = tpu.memref_squeeze %dma_start3A_45 : memref<1x1x64xi32, #tpu.memory_space<vmem>> -> memref<64xi32, #tpu.memory_space<vmem>>
        %dma_start3A_47 = arith.constant 0 : i32
        %dma_start3A_48 = arith.constant 0 : i32
        %dma_start3A_49 = tpu.memref_slice %arg10[%dma_start3A_47, %dma_start3A_48] : memref<10240x128xf32, #tpu.memory_space<vmem_shared>> -> memref<10240x128xf32, #tpu.memory_space<vmem_shared>>
        tpu.enqueue_indirect_dma source(%dma_start3A_43 : memref<64x128xf32, #tpu.memory_space<vmem>>) target(%dma_start3A_49 : memref<10240x128xf32, #tpu.memory_space<vmem_shared>>) offsets(%dma_start3A_46 : memref<64xi32, #tpu.memory_space<vmem>>) semaphore(%run_scoped3A : memref<!tpu.dma_semaphore, #tpu.memory_space<semaphore_mem>>) {add = true}
        %dma_wait3A_50 = arith.constant 0 : i32
        %dma_wait3A_51 = arith.constant 0 : i32
        %dma_wait3A_52 = tpu.memref_slice %arg9[%rem3A_22, %dma_wait3A_50, %dma_wait3A_51] : memref<2x64x128xf32, #tpu.memory_space<vmem>> -> memref<1x64x128xf32, #tpu.memory_space<vmem>>
        %dma_wait3A_53 = tpu.memref_squeeze %dma_wait3A_52 : memref<1x64x128xf32, #tpu.memory_space<vmem>> -> memref<64x128xf32, #tpu.memory_space<vmem>>
        %dma_wait3A_54 = arith.constant 0 : i32
        %dma_wait3A_55 = tpu.memref_slice %arg8[%div3A_37, %rem3A_39, %dma_wait3A_54] : memref<79x2x64xi32, #tpu.memory_space<vmem>> -> memref<1x1x64xi32, #tpu.memory_space<vmem>>
        %dma_wait3A_56 = tpu.memref_squeeze %dma_wait3A_55 : memref<1x1x64xi32, #tpu.memory_space<vmem>> -> memref<64xi32, #tpu.memory_space<vmem>>
        %dma_wait3A_57 = arith.constant 0 : i32
        %dma_wait3A_58 = arith.constant 0 : i32
        %dma_wait3A_59 = tpu.memref_slice %arg10[%dma_wait3A_57, %dma_wait3A_58] : memref<10240x128xf32, #tpu.memory_space<vmem_shared>> -> memref<10240x128xf32, #tpu.memory_space<vmem_shared>>
        tpu.wait_indirect_dma semaphore(%run_scoped3A : memref<!tpu.dma_semaphore, #tpu.memory_space<semaphore_mem>>) src(%dma_wait3A_53 : memref<64x128xf32, #tpu.memory_space<vmem>>) dst(%dma_wait3A_59 : memref<10240x128xf32, #tpu.memory_space<vmem_shared>>)
        tpu.yield
      }) : () -> ()
    }
    %scan3A_19 = arith.constant 158 : i32
    %barrier3A_20 = arith.constant 0 : index
    tpu.barrier barrier_id(%barrier3A_20)
    "tpu.region"() ({
      %run_scoped3A = tpu.sem_alloc : memref<!tpu.dma_semaphore, #tpu.memory_space<semaphore_mem>>
      %dma_start3A_21 = arith.constant 0 : i32
      %dma_start3A_22 = tpu.memref_slice %arg6[%arg0, %mul3A_2, %dma_start3A_21] : memref<2x10240x128xf32, #tpu.memory_space<hbm>> -> memref<1x640x128xf32, #tpu.memory_space<hbm>>
      %dma_start3A_23 = tpu.memref_squeeze %dma_start3A_22 : memref<1x640x128xf32, #tpu.memory_space<hbm>> -> memref<640x128xf32, #tpu.memory_space<hbm>>
      %dma_start3A_24 = arith.constant 0 : i32
      %dma_start3A_25 = tpu.memref_slice %arg10[%mul3A_2, %dma_start3A_24] : memref<10240x128xf32, #tpu.memory_space<vmem_shared>> -> memref<640x128xf32, #tpu.memory_space<vmem_shared>>
      tpu.enqueue_dma source(%dma_start3A_25 : memref<640x128xf32, #tpu.memory_space<vmem_shared>>) target(%dma_start3A_23 : memref<640x128xf32, #tpu.memory_space<hbm>>) target_semaphore(%run_scoped3A : memref<!tpu.dma_semaphore, #tpu.memory_space<semaphore_mem>>)
      %dma_wait3A = arith.constant 0 : i32
      %dma_wait3A_26 = tpu.memref_slice %arg6[%arg0, %mul3A_2, %dma_wait3A] : memref<2x10240x128xf32, #tpu.memory_space<hbm>> -> memref<1x640x128xf32, #tpu.memory_space<hbm>>
      %dma_wait3A_27 = tpu.memref_squeeze %dma_wait3A_26 : memref<1x640x128xf32, #tpu.memory_space<hbm>> -> memref<640x128xf32, #tpu.memory_space<hbm>>
      %dma_wait3A_28 = arith.constant 0 : i32
      %dma_wait3A_29 = tpu.memref_slice %arg10[%mul3A_2, %dma_wait3A_28] : memref<10240x128xf32, #tpu.memory_space<vmem_shared>> -> memref<640x128xf32, #tpu.memory_space<vmem_shared>>
      tpu.wait_dma2 semaphore(%run_scoped3A : memref<!tpu.dma_semaphore, #tpu.memory_space<semaphore_mem>>) src(%dma_wait3A_29 : memref<640x128xf32, #tpu.memory_space<vmem_shared>>) dst(%dma_wait3A_27 : memref<640x128xf32, #tpu.memory_space<hbm>>)
      tpu.yield
    }) : () -> ()
    return
  }
}

module attributes {stable_mosaic.version = 14 : i64} {
  func.func @body(%arg0: i32, %arg1: memref<1280x128xf32, #tpu.memory_space<vmem>>, %arg2: memref<128x128xf32, #tpu.memory_space<vmem>>, %arg3: memref<1280x128xf32, #tpu.memory_space<vmem>>) attributes {dimension_semantics = [#tpu.dimension_semantics<arbitrary>], iteration_bounds = array<i64: 8>, scalar_prefetch = 0 : i64, scratch_operands = 0 : i64, tpu.core_type = #tpu.core_type<tc>, window_params = [{transform_indices = @transform_0, window_bounds = array<i64: 1280, 128>}, {pipeline_mode = #tpu.pipeline_mode<synchronous>, transform_indices = @transform_1, window_bounds = array<i64: 128, 128>}, {transform_indices = @transform_2, window_bounds = array<i64: 1280, 128>}]} {
    %get3A = arith.constant 0 : index
    %get3A_0 = arith.constant 0 : index
    %get3A_1 = vector.load %arg1[%get3A, %get3A_0] : memref<1280x128xf32, #tpu.memory_space<vmem>>, vector<1280x128xf32>
    %get3A_2 = arith.constant 0 : index
    %get3A_3 = arith.constant 0 : index
    %get3A_4 = vector.load %arg2[%get3A_2, %get3A_3] : memref<128x128xf32, #tpu.memory_space<vmem>>, vector<128x128xf32>
    %dot_general3A = arith.constant dense<0.000000e+00> : vector<1280x128xf32>
    %dot_general3A_5 = tpu.matmul %get3A_1, %get3A_4, %dot_general3A {dimension_numbers = #tpu.dot_dimension_numbers<[1], [0], [0], [1], [0, 0, 1, 1], [], []>, transpose_lhs_hint = false} : vector<1280x128xf32>, vector<128x128xf32>, vector<1280x128xf32> -> vector<1280x128xf32>
    %swap3A = arith.constant 0 : index
    %swap3A_6 = arith.constant 0 : index
    %swap3A_7 = vector.load %arg3[%swap3A, %swap3A_6] : memref<1280x128xf32, #tpu.memory_space<vmem>>, vector<1280x128xf32>
    tpu.vector_store %arg3[%swap3A, %swap3A_6], %dot_general3A_5 {strides = array<i32>} : memref<1280x128xf32, #tpu.memory_space<vmem>>, vector<1280x128xf32>,
    return
  }
  func.func @transform_0(%arg0: i32) -> (i32, i32) {
    %c0_i32 = arith.constant 0 : i32
    %c0_i32_0 = arith.constant 0 : i32
    return %arg0, %c0_i32 : i32, i32
  }
  func.func @transform_1(%arg0: i32) -> (i32, i32) {
    %c0_i32 = arith.constant 0 : i32
    %c0_i32_0 = arith.constant 0 : i32
    %c0_i32_1 = arith.constant 0 : i32
    return %c0_i32, %c0_i32_0 : i32, i32
  }
  func.func @transform_2(%arg0: i32) -> (i32, i32) {
    %c0_i32 = arith.constant 0 : i32
    %c0_i32_0 = arith.constant 0 : i32
    return %arg0, %c0_i32 : i32, i32
  }
}

module attributes {stable_mosaic.version = 14 : i64} {
  func.func @body(%arg0: i32, %arg1: memref<1280x128xf32, #tpu.memory_space<vmem>>, %arg2: memref<2x1280x128xf32, #tpu.memory_space<vmem>>, %arg3: memref<1280x128xf32, #tpu.memory_space<vmem>>, %arg4: memref<1280x128xf32, #tpu.memory_space<vmem>>) attributes {dimension_semantics = [#tpu.dimension_semantics<arbitrary>], iteration_bounds = array<i64: 8>, scalar_prefetch = 0 : i64, scratch_operands = 0 : i64, tpu.core_type = #tpu.core_type<tc>, window_params = [{transform_indices = @transform_0, window_bounds = array<i64: 1280, 128>}, {transform_indices = @transform_1, window_bounds = array<i64: 2, 1280, 128>}, {transform_indices = @transform_2, window_bounds = array<i64: 1280, 128>}, {transform_indices = @transform_3, window_bounds = array<i64: 1280, 128>}]} {
    %get3A = arith.constant 0 : index
    %get3A_0 = arith.constant 0 : index
    %get3A_1 = arith.constant 0 : index
    %get3A_2 = vector.load %arg2[%get3A, %get3A_0, %get3A_1] : memref<2x1280x128xf32, #tpu.memory_space<vmem>>, vector<2x1280x128xf32>
    %slice3A = vector.extract_strided_slice %get3A_2 {offsets = [0, 0, 0], sizes = [1, 1280, 128], strides = [1, 1, 1]} : vector<2x1280x128xf32> to vector<1x1280x128xf32>
    %squeeze3A = vector.shape_cast %slice3A : vector<1x1280x128xf32> to vector<1280x128xf32>
    %slice3A_3 = vector.extract_strided_slice %get3A_2 {offsets = [1, 0, 0], sizes = [1, 1280, 128], strides = [1, 1, 1]} : vector<2x1280x128xf32> to vector<1x1280x128xf32>
    %squeeze3A_4 = vector.shape_cast %slice3A_3 : vector<1x1280x128xf32> to vector<1280x128xf32>
    %add3A = arith.addf %squeeze3A, %squeeze3A_4 : vector<1280x128xf32>
    %add3A_5 = arith.constant 1.000000e+00 : f32
    %add3A_6 = vector.broadcast %add3A_5 : f32 to vector<1280x128xf32>
    %add3A_7 = arith.addf %add3A, %add3A_6 : vector<1280x128xf32>
    %rsqrt3A = math.rsqrt %add3A_7 : vector<1280x128xf32>
    %iota3A = tpu.iota {dimensions = array<i32: 0>} : vector<1280x128xi32>
    %mul3A = arith.constant 1280 : i32
    %mul3A_8 = arith.muli %arg0, %mul3A : i32
    %add3A_9 = vector.broadcast %mul3A_8 : i32 to vector<1280x128xi32>
    %add3A_10 = arith.addi %iota3A, %add3A_9 : vector<1280x128xi32>
    %lt3A = arith.constant 10000 : i32
    %lt3A_11 = vector.broadcast %lt3A : i32 to vector<1280x128xi32>
    %lt3A_12 = arith.cmpi slt, %add3A_10, %lt3A_11 : vector<1280x128xi32>
    %jit3A = arith.constant 0.000000e+00 : f32
    %broadcast_in_dim3A = vector.broadcast %jit3A : f32 to vector<1280x128xf32>
    %select_n3A = arith.select %lt3A_12, %rsqrt3A, %broadcast_in_dim3A : vector<1280x128xi1>, vector<1280x128xf32>
    %get3A_13 = arith.constant 0 : index
    %get3A_14 = arith.constant 0 : index
    %get3A_15 = vector.load %arg1[%get3A_13, %get3A_14] : memref<1280x128xf32, #tpu.memory_space<vmem>>, vector<1280x128xf32>
    %mul3A_16 = arith.mulf %select_n3A, %get3A_15 : vector<1280x128xf32>
    %swap3A = arith.constant 0 : index
    %swap3A_17 = arith.constant 0 : index
    %swap3A_18 = vector.load %arg3[%swap3A, %swap3A_17] : memref<1280x128xf32, #tpu.memory_space<vmem>>, vector<1280x128xf32>
    tpu.vector_store %arg3[%swap3A, %swap3A_17], %mul3A_16 {strides = array<i32>} : memref<1280x128xf32, #tpu.memory_space<vmem>>, vector<1280x128xf32>,
    %swap3A_19 = arith.constant 0 : index
    %swap3A_20 = arith.constant 0 : index
    %swap3A_21 = vector.load %arg4[%swap3A_19, %swap3A_20] : memref<1280x128xf32, #tpu.memory_space<vmem>>, vector<1280x128xf32>
    tpu.vector_store %arg4[%swap3A_19, %swap3A_20], %select_n3A {strides = array<i32>} : memref<1280x128xf32, #tpu.memory_space<vmem>>, vector<1280x128xf32>,
    return
  }
  func.func @transform_0(%arg0: i32) -> (i32, i32) {
    %c0_i32 = arith.constant 0 : i32
    %c0_i32_0 = arith.constant 0 : i32
    return %arg0, %c0_i32 : i32, i32
  }
  func.func @transform_1(%arg0: i32) -> (i32, i32, i32) {
    %c0_i32 = arith.constant 0 : i32
    %c0_i32_0 = arith.constant 0 : i32
    %c0_i32_1 = arith.constant 0 : i32
    return %c0_i32, %arg0, %c0_i32_0 : i32, i32, i32
  }
  func.func @transform_2(%arg0: i32) -> (i32, i32) {
    %c0_i32 = arith.constant 0 : i32
    %c0_i32_0 = arith.constant 0 : i32
    return %arg0, %c0_i32 : i32, i32
  }
  func.func @transform_3(%arg0: i32) -> (i32, i32) {
    %c0_i32 = arith.constant 0 : i32
    %c0_i32_0 = arith.constant 0 : i32
    return %arg0, %c0_i32 : i32, i32
  }
}

module attributes {stable_mosaic.version = 14 : i64} {
  func.func @body(%arg0: i32, %arg1: memref<2x1280x128xf32, #tpu.memory_space<vmem>>, %arg2: memref<1280x128xf32, #tpu.memory_space<vmem>>, %arg3: memref<1280x128xf32, #tpu.memory_space<vmem>>, %arg4: memref<1x128xf32, #tpu.memory_space<vmem>>, %arg5: memref<128x128xf32, #tpu.memory_space<vmem>>, %arg6: memref<1280x128xf32, #tpu.memory_space<vmem>>) attributes {dimension_semantics = [#tpu.dimension_semantics<arbitrary>], iteration_bounds = array<i64: 8>, scalar_prefetch = 0 : i64, scratch_operands = 0 : i64, tpu.core_type = #tpu.core_type<tc>, window_params = [{transform_indices = @transform_0, window_bounds = array<i64: 2, 1280, 128>}, {transform_indices = @transform_1, window_bounds = array<i64: 1280, 128>}, {transform_indices = @transform_2, window_bounds = array<i64: 1280, 128>}, {pipeline_mode = #tpu.pipeline_mode<synchronous>, transform_indices = @transform_3, window_bounds = array<i64: 1, 128>}, {pipeline_mode = #tpu.pipeline_mode<synchronous>, transform_indices = @transform_4, window_bounds = array<i64: 128, 128>}, {transform_indices = @transform_5, window_bounds = array<i64: 1280, 128>}]} {
    %get3A = arith.constant 0 : index
    %get3A_0 = arith.constant 0 : index
    %get3A_1 = arith.constant 0 : index
    %get3A_2 = vector.load %arg1[%get3A, %get3A_0, %get3A_1] : memref<2x1280x128xf32, #tpu.memory_space<vmem>>, vector<2x1280x128xf32>
    %get3A_3 = arith.constant 0 : index
    %get3A_4 = arith.constant 0 : index
    %get3A_5 = vector.load %arg3[%get3A_3, %get3A_4] : memref<1280x128xf32, #tpu.memory_space<vmem>>, vector<1280x128xf32>
    %slice3A = vector.extract_strided_slice %get3A_2 {offsets = [0, 0, 0], sizes = [1, 1280, 128], strides = [1, 1, 1]} : vector<2x1280x128xf32> to vector<1x1280x128xf32>
    %squeeze3A = vector.shape_cast %slice3A : vector<1x1280x128xf32> to vector<1280x128xf32>
    %slice3A_6 = vector.extract_strided_slice %get3A_2 {offsets = [1, 0, 0], sizes = [1, 1280, 128], strides = [1, 1, 1]} : vector<2x1280x128xf32> to vector<1x1280x128xf32>
    %squeeze3A_7 = vector.shape_cast %slice3A_6 : vector<1x1280x128xf32> to vector<1280x128xf32>
    %add3A = arith.addf %squeeze3A, %squeeze3A_7 : vector<1280x128xf32>
    %get3A_8 = arith.constant 0 : index
    %get3A_9 = arith.constant 0 : index
    %get3A_10 = vector.load %arg2[%get3A_8, %get3A_9] : memref<1280x128xf32, #tpu.memory_space<vmem>>, vector<1280x128xf32>
    %add3A_11 = arith.addf %add3A, %get3A_10 : vector<1280x128xf32>
    %mul3A = arith.mulf %get3A_5, %add3A_11 : vector<1280x128xf32>
    %get3A_12 = arith.constant 0 : index
    %get3A_13 = arith.constant 0 : index
    %get3A_14 = vector.load %arg4[%get3A_12, %get3A_13] : memref<1x128xf32, #tpu.memory_space<vmem>>, vector<1x128xf32>
    %add3A_15 = vector.broadcast %get3A_14 : vector<1x128xf32> to vector<1280x128xf32>
    %add3A_16 = arith.addf %mul3A, %add3A_15 : vector<1280x128xf32>
    %max3A = arith.constant 0.000000e+00 : f32
    %max3A_17 = vector.broadcast %max3A : f32 to vector<1280x128xf32>
    %max3A_18 = arith.maximumf %add3A_16, %max3A_17 : vector<1280x128xf32>
    %get3A_19 = arith.constant 0 : index
    %get3A_20 = arith.constant 0 : index
    %get3A_21 = vector.load %arg5[%get3A_19, %get3A_20] : memref<128x128xf32, #tpu.memory_space<vmem>>, vector<128x128xf32>
    %dot_general3A = arith.constant dense<0.000000e+00> : vector<1280x128xf32>
    %dot_general3A_22 = tpu.matmul %max3A_18, %get3A_21, %dot_general3A {dimension_numbers = #tpu.dot_dimension_numbers<[1], [0], [0], [1], [0, 0, 1, 1], [], []>, transpose_lhs_hint = false} : vector<1280x128xf32>, vector<128x128xf32>, vector<1280x128xf32> -> vector<1280x128xf32>
    %mul3A_23 = arith.mulf %get3A_5, %dot_general3A_22 : vector<1280x128xf32>
    %swap3A = arith.constant 0 : index
    %swap3A_24 = arith.constant 0 : index
    %swap3A_25 = vector.load %arg6[%swap3A, %swap3A_24] : memref<1280x128xf32, #tpu.memory_space<vmem>>, vector<1280x128xf32>
    tpu.vector_store %arg6[%swap3A, %swap3A_24], %mul3A_23 {strides = array<i32>} : memref<1280x128xf32, #tpu.memory_space<vmem>>, vector<1280x128xf32>,
    return
  }
  func.func @transform_0(%arg0: i32) -> (i32, i32, i32) {
    %c0_i32 = arith.constant 0 : i32
    %c0_i32_0 = arith.constant 0 : i32
    %c0_i32_1 = arith.constant 0 : i32
    return %c0_i32, %arg0, %c0_i32_0 : i32, i32, i32
  }
  func.func @transform_1(%arg0: i32) -> (i32, i32) {
    %c0_i32 = arith.constant 0 : i32
    %c0_i32_0 = arith.constant 0 : i32
    return %arg0, %c0_i32 : i32, i32
  }
  func.func @transform_2(%arg0: i32) -> (i32, i32) {
    %c0_i32 = arith.constant 0 : i32
    %c0_i32_0 = arith.constant 0 : i32
    return %arg0, %c0_i32 : i32, i32
  }
  func.func @transform_3(%arg0: i32) -> (i32, i32) {
    %c0_i32 = arith.constant 0 : i32
    %c0_i32_0 = arith.constant 0 : i32
    %c0_i32_1 = arith.constant 0 : i32
    return %c0_i32, %c0_i32_0 : i32, i32
  }
  func.func @transform_4(%arg0: i32) -> (i32, i32) {
    %c0_i32 = arith.constant 0 : i32
    %c0_i32_0 = arith.constant 0 : i32
    %c0_i32_1 = arith.constant 0 : i32
    return %c0_i32, %c0_i32_0 : i32, i32
  }
  func.func @transform_5(%arg0: i32) -> (i32, i32) {
    %c0_i32 = arith.constant 0 : i32
    %c0_i32_0 = arith.constant 0 : i32
    return %arg0, %c0_i32 : i32, i32
  }
}

module attributes {stable_mosaic.version = 14 : i64} {
  func.func @body(%arg0: i32, %arg1: memref<2x1280x128xf32, #tpu.memory_space<vmem>>, %arg2: memref<1280x128xf32, #tpu.memory_space<vmem>>, %arg3: memref<1280x128xf32, #tpu.memory_space<vmem>>, %arg4: memref<1x128xf32, #tpu.memory_space<vmem>>, %arg5: memref<1x1280xi32, #tpu.memory_space<vmem>>, %arg6: memref<128x128xf32, #tpu.memory_space<vmem>>, %arg7: memref<1x128xf32, #tpu.memory_space<vmem>>, %arg8: memref<128x10xf32, #tpu.memory_space<vmem>>, %arg9: memref<1x10xf32, #tpu.memory_space<vmem>>, %arg10: memref<64x10xf32, #tpu.memory_space<vmem>>, %arg11: memref<64x128xf32, #tpu.memory_space<vmem>>, %arg12: memref<64x1xf32, #tpu.memory_space<vmem>>) attributes {dimension_semantics = [#tpu.dimension_semantics<arbitrary>], iteration_bounds = array<i64: 8>, scalar_prefetch = 0 : i64, scratch_operands = 2 : i64, tpu.core_type = #tpu.core_type<tc>, window_params = [{transform_indices = @transform_0, window_bounds = array<i64: 2, 1280, 128>}, {transform_indices = @transform_1, window_bounds = array<i64: 1280, 128>}, {transform_indices = @transform_2, window_bounds = array<i64: 1280, 128>}, {pipeline_mode = #tpu.pipeline_mode<synchronous>, transform_indices = @transform_3, window_bounds = array<i64: 1, 128>}, {transform_indices = @transform_4, window_bounds = array<i64: 1, 1280>}, {pipeline_mode = #tpu.pipeline_mode<synchronous>, transform_indices = @transform_5, window_bounds = array<i64: 128, 128>}, {pipeline_mode = #tpu.pipeline_mode<synchronous>, transform_indices = @transform_6, window_bounds = array<i64: 1, 128>}, {pipeline_mode = #tpu.pipeline_mode<synchronous>, transform_indices = @transform_7, window_bounds = array<i64: 128, 10>}, {pipeline_mode = #tpu.pipeline_mode<synchronous>, transform_indices = @transform_8, window_bounds = array<i64: 1, 10>}, {pipeline_mode = #tpu.pipeline_mode<synchronous>, transform_indices = @transform_9, window_bounds = array<i64: 64, 10>}]} {
    %eq3A = arith.constant 0 : i32
    %eq3A_0 = arith.cmpi eq, %arg0, %eq3A : i32
    %convert_element_type3A = arith.extui %eq3A_0 : i1 to i32
    %cond3A = arith.constant 0 : i32
    %cond3A_1 = arith.cmpi ne, %convert_element_type3A, %cond3A : i32
    scf.if %cond3A_1 {
      %broadcast_in_dim3A_51 = arith.constant 0.000000e+00 : f32
      %broadcast_in_dim3A_52 = vector.broadcast %broadcast_in_dim3A_51 : f32 to vector<64x128xf32>
      %swap3A_53 = arith.constant 0 : index
      %swap3A_54 = arith.constant 0 : index
      %swap3A_55 = vector.load %arg11[%swap3A_53, %swap3A_54] : memref<64x128xf32, #tpu.memory_space<vmem>>, vector<64x128xf32>
      tpu.vector_store %arg11[%swap3A_53, %swap3A_54], %broadcast_in_dim3A_52 {strides = array<i32>} : memref<64x128xf32, #tpu.memory_space<vmem>>, vector<64x128xf32>,
      %broadcast_in_dim3A_56 = arith.constant 0.000000e+00 : f32
      %broadcast_in_dim3A_57 = vector.broadcast %broadcast_in_dim3A_56 : f32 to vector<64x1xf32>
      %swap3A_58 = arith.constant 0 : index
      %swap3A_59 = arith.constant 0 : index
      %swap3A_60 = vector.load %arg12[%swap3A_58, %swap3A_59] : memref<64x1xf32, #tpu.memory_space<vmem>>, vector<64x1xf32>
      tpu.vector_store %arg12[%swap3A_58, %swap3A_59], %broadcast_in_dim3A_57 {strides = array<i32>} : memref<64x1xf32, #tpu.memory_space<vmem>>, vector<64x1xf32>,
    } else {
    }
    %get3A = arith.constant 0 : index
    %get3A_2 = arith.constant 0 : index
    %get3A_3 = arith.constant 0 : index
    %get3A_4 = vector.load %arg1[%get3A, %get3A_2, %get3A_3] : memref<2x1280x128xf32, #tpu.memory_space<vmem>>, vector<2x1280x128xf32>
    %get3A_5 = arith.constant 0 : index
    %get3A_6 = arith.constant 0 : index
    %get3A_7 = vector.load %arg3[%get3A_5, %get3A_6] : memref<1280x128xf32, #tpu.memory_space<vmem>>, vector<1280x128xf32>
    %slice3A = vector.extract_strided_slice %get3A_4 {offsets = [0, 0, 0], sizes = [1, 1280, 128], strides = [1, 1, 1]} : vector<2x1280x128xf32> to vector<1x1280x128xf32>
    %squeeze3A = vector.shape_cast %slice3A : vector<1x1280x128xf32> to vector<1280x128xf32>
    %slice3A_8 = vector.extract_strided_slice %get3A_4 {offsets = [1, 0, 0], sizes = [1, 1280, 128], strides = [1, 1, 1]} : vector<2x1280x128xf32> to vector<1x1280x128xf32>
    %squeeze3A_9 = vector.shape_cast %slice3A_8 : vector<1x1280x128xf32> to vector<1280x128xf32>
    %add3A = arith.addf %squeeze3A, %squeeze3A_9 : vector<1280x128xf32>
    %get3A_10 = arith.constant 0 : index
    %get3A_11 = arith.constant 0 : index
    %get3A_12 = vector.load %arg2[%get3A_10, %get3A_11] : memref<1280x128xf32, #tpu.memory_space<vmem>>, vector<1280x128xf32>
    %add3A_13 = arith.addf %add3A, %get3A_12 : vector<1280x128xf32>
    %mul3A = arith.mulf %get3A_7, %add3A_13 : vector<1280x128xf32>
    %get3A_14 = arith.constant 0 : index
    %get3A_15 = arith.constant 0 : index
    %get3A_16 = vector.load %arg4[%get3A_14, %get3A_15] : memref<1x128xf32, #tpu.memory_space<vmem>>, vector<1x128xf32>
    %add3A_17 = vector.broadcast %get3A_16 : vector<1x128xf32> to vector<1280x128xf32>
    %add3A_18 = arith.addf %mul3A, %add3A_17 : vector<1280x128xf32>
    %max3A = arith.constant 0.000000e+00 : f32
    %max3A_19 = vector.broadcast %max3A : f32 to vector<1280x128xf32>
    %max3A_20 = arith.maximumf %add3A_18, %max3A_19 : vector<1280x128xf32>
    %get3A_21 = arith.constant 0 : index
    %get3A_22 = arith.constant 0 : index
    %get3A_23 = vector.load %arg5[%get3A_21, %get3A_22] : memref<1x1280xi32, #tpu.memory_space<vmem>>, vector<1x1280xi32>
    %iota3A = tpu.iota {dimensions = array<i32: 0>} : vector<64x1xi32>
    %eq3A_24 = vector.broadcast %get3A_23 : vector<1x1280xi32> to vector<64x1280xi32>
    %eq3A_25 = vector.broadcast %iota3A : vector<64x1xi32> to vector<64x1280xi32>
    %eq3A_26 = arith.cmpi eq, %eq3A_24, %eq3A_25 : vector<64x1280xi32>
    %convert_element_type3A_27 = arith.extui %eq3A_26 : vector<64x1280xi1> to vector<64x1280xi32>
    %convert_element_type3A_28 = arith.sitofp %convert_element_type3A_27 : vector<64x1280xi32> to vector<64x1280xf32>
    %get3A_29 = arith.constant 0 : index
    %get3A_30 = arith.constant 0 : index
    %get3A_31 = vector.load %arg11[%get3A_29, %get3A_30] : memref<64x128xf32, #tpu.memory_space<vmem>>, vector<64x128xf32>
    %dot_general3A = arith.constant dense<0.000000e+00> : vector<64x128xf32>
    %dot_general3A_32 = tpu.matmul %convert_element_type3A_28, %max3A_20, %dot_general3A {dimension_numbers = #tpu.dot_dimension_numbers<[1], [0], [0], [1], [0, 0, 1, 1], [], []>, transpose_lhs_hint = false} : vector<64x1280xf32>, vector<1280x128xf32>, vector<64x128xf32> -> vector<64x128xf32>
    %add3A_33 = arith.addf %get3A_31, %dot_general3A_32 : vector<64x128xf32>
    %swap3A = arith.constant 0 : index
    %swap3A_34 = arith.constant 0 : index
    %swap3A_35 = vector.load %arg11[%swap3A, %swap3A_34] : memref<64x128xf32, #tpu.memory_space<vmem>>, vector<64x128xf32>
    tpu.vector_store %arg11[%swap3A, %swap3A_34], %add3A_33 {strides = array<i32>} : memref<64x128xf32, #tpu.memory_space<vmem>>, vector<64x128xf32>,
    %get3A_36 = arith.constant 0 : index
    %get3A_37 = arith.constant 0 : index
    %get3A_38 = vector.load %arg12[%get3A_36, %get3A_37] : memref<64x1xf32, #tpu.memory_space<vmem>>, vector<64x1xf32>
    %broadcast_in_dim3A = arith.constant 1.000000e+00 : f32
    %broadcast_in_dim3A_39 = vector.broadcast %broadcast_in_dim3A : f32 to vector<1280x1xf32>
    %dot_general3A_40 = arith.constant dense<0.000000e+00> : vector<64x1xf32>
    %dot_general3A_41 = tpu.matmul %convert_element_type3A_28, %broadcast_in_dim3A_39, %dot_general3A_40 {dimension_numbers = #tpu.dot_dimension_numbers<[1], [0], [0], [1], [0, 0, 1, 1], [], []>, transpose_lhs_hint = false} : vector<64x1280xf32>, vector<1280x1xf32>, vector<64x1xf32> -> vector<64x1xf32>
    %add3A_42 = arith.addf %get3A_38, %dot_general3A_41 : vector<64x1xf32>
    %swap3A_43 = arith.constant 0 : index
    %swap3A_44 = arith.constant 0 : index
    %swap3A_45 = vector.load %arg12[%swap3A_43, %swap3A_44] : memref<64x1xf32, #tpu.memory_space<vmem>>, vector<64x1xf32>
    tpu.vector_store %arg12[%swap3A_43, %swap3A_44], %add3A_42 {strides = array<i32>} : memref<64x1xf32, #tpu.memory_space<vmem>>, vector<64x1xf32>,
    %eq3A_46 = arith.constant 7 : i32
    %eq3A_47 = arith.cmpi eq, %arg0, %eq3A_46 : i32
    %convert_element_type3A_48 = arith.extui %eq3A_47 : i1 to i32
    %cond3A_49 = arith.constant 0 : i32
    %cond3A_50 = arith.cmpi ne, %convert_element_type3A_48, %cond3A_49 : i32
    scf.if %cond3A_50 {
      %get3A_51 = arith.constant 0 : index
      %get3A_52 = arith.constant 0 : index
      %get3A_53 = vector.load %arg11[%get3A_51, %get3A_52] : memref<64x128xf32, #tpu.memory_space<vmem>>, vector<64x128xf32>
      %get3A_54 = arith.constant 0 : index
      %get3A_55 = arith.constant 0 : index
      %get3A_56 = vector.load %arg12[%get3A_54, %get3A_55] : memref<64x1xf32, #tpu.memory_space<vmem>>, vector<64x1xf32>
      %max3A_57 = arith.constant 1.000000e+00 : f32
      %max3A_58 = vector.broadcast %max3A_57 : f32 to vector<64x1xf32>
      %max3A_59 = arith.maximumf %get3A_56, %max3A_58 : vector<64x1xf32>
      %div3A = vector.broadcast %max3A_59 : vector<64x1xf32> to vector<64x128xf32>
      %div3A_60 = arith.divf %get3A_53, %div3A : vector<64x128xf32>
      %get3A_61 = arith.constant 0 : index
      %get3A_62 = arith.constant 0 : index
      %get3A_63 = vector.load %arg6[%get3A_61, %get3A_62] : memref<128x128xf32, #tpu.memory_space<vmem>>, vector<128x128xf32>
      %dot_general3A_64 = arith.constant dense<0.000000e+00> : vector<64x128xf32>
      %dot_general3A_65 = tpu.matmul %div3A_60, %get3A_63, %dot_general3A_64 {dimension_numbers = #tpu.dot_dimension_numbers<[1], [0], [0], [1], [0, 0, 1, 1], [], []>, transpose_lhs_hint = false} : vector<64x128xf32>, vector<128x128xf32>, vector<64x128xf32> -> vector<64x128xf32>
      %get3A_66 = arith.constant 0 : index
      %get3A_67 = arith.constant 0 : index
      %get3A_68 = vector.load %arg7[%get3A_66, %get3A_67] : memref<1x128xf32, #tpu.memory_space<vmem>>, vector<1x128xf32>
      %add3A_69 = vector.broadcast %get3A_68 : vector<1x128xf32> to vector<64x128xf32>
      %add3A_70 = arith.addf %dot_general3A_65, %add3A_69 : vector<64x128xf32>
      %max3A_71 = arith.constant 0.000000e+00 : f32
      %max3A_72 = vector.broadcast %max3A_71 : f32 to vector<64x128xf32>
      %max3A_73 = arith.maximumf %add3A_70, %max3A_72 : vector<64x128xf32>
      %get3A_74 = arith.constant 0 : index
      %get3A_75 = arith.constant 0 : index
      %get3A_76 = vector.load %arg8[%get3A_74, %get3A_75] : memref<128x10xf32, #tpu.memory_space<vmem>>, vector<128x10xf32>
      %dot_general3A_77 = arith.constant dense<0.000000e+00> : vector<64x10xf32>
      %dot_general3A_78 = tpu.matmul %max3A_73, %get3A_76, %dot_general3A_77 {dimension_numbers = #tpu.dot_dimension_numbers<[1], [0], [0], [1], [0, 0, 1, 1], [], []>, transpose_lhs_hint = false} : vector<64x128xf32>, vector<128x10xf32>, vector<64x10xf32> -> vector<64x10xf32>
      %get3A_79 = arith.constant 0 : index
      %get3A_80 = arith.constant 0 : index
      %get3A_81 = vector.load %arg9[%get3A_79, %get3A_80] : memref<1x10xf32, #tpu.memory_space<vmem>>, vector<1x10xf32>
      %add3A_82 = vector.broadcast %get3A_81 : vector<1x10xf32> to vector<64x10xf32>
      %add3A_83 = arith.addf %dot_general3A_78, %add3A_82 : vector<64x10xf32>
      %swap3A_84 = arith.constant 0 : index
      %swap3A_85 = arith.constant 0 : index
      %swap3A_86 = vector.load %arg10[%swap3A_84, %swap3A_85] : memref<64x10xf32, #tpu.memory_space<vmem>>, vector<64x10xf32>
      tpu.vector_store %arg10[%swap3A_84, %swap3A_85], %add3A_83 {strides = array<i32>} : memref<64x10xf32, #tpu.memory_space<vmem>>, vector<64x10xf32>,
    } else {
    }
    return
  }
  func.func @transform_0(%arg0: i32) -> (i32, i32, i32) {
    %c0_i32 = arith.constant 0 : i32
    %c0_i32_0 = arith.constant 0 : i32
    %c0_i32_1 = arith.constant 0 : i32
    return %c0_i32, %arg0, %c0_i32_0 : i32, i32, i32
  }
  func.func @transform_1(%arg0: i32) -> (i32, i32) {
    %c0_i32 = arith.constant 0 : i32
    %c0_i32_0 = arith.constant 0 : i32
    return %arg0, %c0_i32 : i32, i32
  }
  func.func @transform_2(%arg0: i32) -> (i32, i32) {
    %c0_i32 = arith.constant 0 : i32
    %c0_i32_0 = arith.constant 0 : i32
    return %arg0, %c0_i32 : i32, i32
  }
  func.func @transform_3(%arg0: i32) -> (i32, i32) {
    %c0_i32 = arith.constant 0 : i32
    %c0_i32_0 = arith.constant 0 : i32
    %c0_i32_1 = arith.constant 0 : i32
    return %c0_i32, %c0_i32_0 : i32, i32
  }
  func.func @transform_4(%arg0: i32) -> (i32, i32) {
    %c0_i32 = arith.constant 0 : i32
    %c0_i32_0 = arith.constant 0 : i32
    return %c0_i32, %arg0 : i32, i32
  }
  func.func @transform_5(%arg0: i32) -> (i32, i32) {
    %c0_i32 = arith.constant 0 : i32
    %c0_i32_0 = arith.constant 0 : i32
    %c0_i32_1 = arith.constant 0 : i32
    return %c0_i32, %c0_i32_0 : i32, i32
  }
  func.func @transform_6(%arg0: i32) -> (i32, i32) {
    %c0_i32 = arith.constant 0 : i32
    %c0_i32_0 = arith.constant 0 : i32
    %c0_i32_1 = arith.constant 0 : i32
    return %c0_i32, %c0_i32_0 : i32, i32
  }
  func.func @transform_7(%arg0: i32) -> (i32, i32) {
    %c0_i32 = arith.constant 0 : i32
    %c0_i32_0 = arith.constant 0 : i32
    %c0_i32_1 = arith.constant 0 : i32
    return %c0_i32, %c0_i32_0 : i32, i32
  }
  func.func @transform_8(%arg0: i32) -> (i32, i32) {
    %c0_i32 = arith.constant 0 : i32
    %c0_i32_0 = arith.constant 0 : i32
    %c0_i32_1 = arith.constant 0 : i32
    return %c0_i32, %c0_i32_0 : i32, i32
  }
  func.func @transform_9(%arg0: i32) -> (i32, i32) {
    %c0_i32 = arith.constant 0 : i32
    %c0_i32_0 = arith.constant 0 : i32
    %c0_i32_1 = arith.constant 0 : i32
    return %c0_i32, %c0_i32_0 : i32, i32
  }
}

</mosaic_0001>

<sc_bundles>
// kernel: kernel.12.cloned.1.call-start
scs
__scs_entry_jumppad:
0x0: {  	(pc) =	sbr.rel $0x88, $3  }
0x1: {  	(tag) =	ssettag $0x0;
	lr =	simm.s32 $0x1  }
0x2: {  	[smem:$0x3F96] =	sst lr;
	_ =	strace $0xD0000000  }
0x3: {  	_ = 	snop  }
0x4: {  	_ = 	snop  }
0x5: {  	_ = 	snop  }
0x6: {  	_ = 	snop  }
0x7: {  	_ = 	snop  }
__scs_overlays_trampoline_lowered:
0x8: {  	[smem:$0x3FA5] =	sst s0  }
0x9: {  	[smem:$0x3FA6] =	sst s1  }
0xa: {  	[smem:$0x3FA7] =	sst s2  }
0xb: {  	[smem:$0x3FA8] =	sst s3  }
0xc: {  	[smem:$0x3FA9] =	sst s4  }
0xd: {  	[smem:$0x3FAA] =	sst s5  }
0xe: {  	[smem:$0x3FAB] =	sst s6  }
0xf: {  	[smem:$0x3FAC] =	sst s7  }
0x10: {  	[smem:$0x3FAD] =	sst s8  }
0x11: {  	[smem:$0x3FAE] =	sst s9;
	s0 =	simm.s32 @!p0 $0x0  }
0x12: {  	s1 =	sld [smem:$0x3F94];
	s0 =	simm.s32 @p0 $0x1  }
0x13: {  	[smem:$0x3FAF] =	sst s0;
	s0 =	simm.s32 @!p1 $0x0  }
0x14: {  	s2 =	sld [smem:$0x3F93];
	s0 =	simm.s32 @p1 $0x1  }
0x15: {  	[smem:$0x3FB0] =	sst s0;
	s0 =	simm.s32 @!p2 $0x0  }
0x16: {  	s3 =	sld [smem:$0x3FDB];
	s0 =	simm.s32 @p2 $0x1  }
0x17: {  	s4 =	simm.s32 $0x1BF5;
	[smem:$0x3FB2] =	sst s0  }
0x18: {  	s0 =	sld [smem:$0x3F95];
	_ =	swait.ge [sflag:s4], $0x0  }
0x19: {  	s7 =	sld [smem:$0x3F96]  }
0x1a: {  	s8 =	sadd.s32 $0xFFFFE003, lr  }
0x1b: {  	s9 =	sadd.s32 $0xFFFFFEF7, lr;
	s5 =	simm.s32 $0xFFFFFFFF;
	p2 =	slt.u32 s8, $0xFFFFF086  }
0x1c: {  	p1 =	slt.u32 s9, $0xF7A;
	s5 =	simm.s32 @!p2 $0x0  }
0x1d: {  	s5 =	simm.s32 @p1 $0x1;
	p0 =	seq.s32 s7, s2  }
0x1e: {  	s7 =	smul.u32 @!p0 $0xF7A, s2;
	p2 =	seq.s32 @!p0 s5, $0x0  }
0x1f: {  	s9 =	smul.u32 $0xF7A, s1;
	s8 =	simm.s32 @!p0 $0x1BF5;
	p2 =	por !p2, p0  }
0x20: {  	[sflag:s8] =	ssyncset.s32 @!p0 $0xFFFFF086;
	s6 =	sadd.s32 @!p0 s3, s7;
	s7 =	simm.s32 @!p0 $0x108  }
0x21: {  	s3 =	sadd.s32 s3, s9;
	s6 =	sadd.s32 @!p0 $0x88, s6;
	s7 =	simm.s32 @p2 $0x1082  }
0x22: {  	[simem:s7], [sflag:s8] =	dma.local @!p0 [hbm:s6], $0xF7A  }
0x23: {  	s9 =	sor.u32 $0xD0000000, s2;
	s6 =	simm.s32 $0x108;
	_ =	swait.ge @!p0 [sflag:s8], $0x0  }
0x24: {  	s3 =	sadd.s32 $0x88, s3;
	s6 =	simm.s32 @!p1 $0x1082;
	[sflag:s4] =	ssyncset.s32 $0xFFFFF086  }
0x25: {  	[simem:s6], [sflag:s4] =	dma.local [hbm:s3], $0xF7A  }
0x26: {  	[smem:$0x3F96] =	sst s1;
	(tag) =	ssettag s2;
	_ =	strace s9  }
0x27: {  	s1 =	sld [smem:$0x3FA6]  }
0x28: {  	s2 =	sld [smem:$0x3FA7]  }
0x29: {  	s4 =	sld [smem:$0x3FA9]  }
0x2a: {  	p0 =	seq.s32 s5, $0x0;
	s5 =	sld [smem:$0x3FAA]  }
0x2b: {  	s6 =	sld [smem:$0x3FAB]  }
0x2c: {  	s7 =	sld [smem:$0x3FAC]  }
0x2d: {  	s3 =	simm.s32 $0x108;
	s8 =	sld [smem:$0x3FAD]  }
0x2e: {  	s3 =	simm.s32 @!p0 $0x1082;
	s9 =	sld [smem:$0x3FAE]  }
0x2f: {  	lr =	sadd.s32 s0, s3;
	s0 =	sld [smem:$0x3FA5]  }
0x30: {  	s3 =	sld [smem:$0x3FA8]  }
0x31: {  	[smem:$0x3FB1] =	sst s10  }
0x32: {  	s10 =	sld [smem:$0x3FAF];
	_ =	sdelay $0x3  }
0x33: {  	p0 =	seq.s32 s10, $0x1;
	s10 =	sld [smem:$0x3FB1];
	_ =	sdelay $0x3  }
0x34: {  	[smem:$0x3FB1] =	sst s10  }
0x35: {  	s10 =	sld [smem:$0x3FB0];
	_ =	sdelay $0x3  }
0x36: {  	p1 =	seq.s32 s10, $0x1;
	s10 =	sld [smem:$0x3FB1];
	_ =	sdelay $0x3  }
0x37: {  	[smem:$0x3FB1] =	sst s10  }
0x38: {  	s10 =	sld [smem:$0x3FB2]  }
0x39: {  	_ = 	snop;
	(pc) =	sbr.ind lr, $3  }
0x3a: {  	_ = 	snop  }
0x3b: {  	_ = 	snop  }
0x3c: {  	p2 =	seq.s32 s10, $0x1;
	s10 =	sld [smem:$0x3FB1]  }
0x3d: {  	_ =	shalt  }
0x3e: {  	_ =	shalt  }
0x3f: {  	_ =	shalt  }
0x40: {  	_ =	shalt  }
0x41: {  	_ =	shalt  }
0x42: {  	_ =	shalt  }
0x43: {  	_ =	shalt  }
0x44: {  	_ =	shalt  }
0x45: {  	_ =	shalt  }
0x46: {  	_ =	shalt  }
0x47: {  	_ =	shalt  }
0x48: {  	_ =	shalt  }
0x49: {  	_ =	shalt  }
0x4a: {  	_ =	shalt  }
0x4b: {  	_ =	shalt  }
0x4c: {  	_ =	shalt  }
0x4d: {  	_ =	shalt  }
0x4e: {  	_ =	shalt  }
0x4f: {  	_ =	shalt  }
0x50: {  	_ =	shalt  }
0x51: {  	_ =	shalt  }
0x52: {  	_ =	shalt  }
0x53: {  	_ =	shalt  }
0x54: {  	_ =	shalt  }
0x55: {  	_ =	shalt  }
0x56: {  	_ =	shalt  }
0x57: {  	_ =	shalt  }
0x58: {  	_ =	shalt  }
0x59: {  	_ =	shalt  }
0x5a: {  	_ =	shalt  }
0x5b: {  	_ =	shalt  }
0x5c: {  	_ =	shalt  }
0x5d: {  	_ =	shalt  }
0x5e: {  	_ =	shalt  }
0x5f: {  	_ =	shalt  }
0x60: {  	_ =	shalt  }
0x61: {  	_ =	shalt  }
0x62: {  	_ =	shalt  }
0x63: {  	_ =	shalt  }
0x64: {  	_ =	shalt  }
0x65: {  	_ =	shalt  }
0x66: {  	_ =	shalt  }
0x67: {  	_ =	shalt  }
0x68: {  	_ =	shalt  }
0x69: {  	_ =	shalt  }
0x6a: {  	_ =	shalt  }
0x6b: {  	_ =	shalt  }
0x6c: {  	_ =	shalt  }
0x6d: {  	_ =	shalt  }
0x6e: {  	_ =	shalt  }
0x6f: {  	_ =	shalt  }
0x70: {  	_ =	shalt  }
0x71: {  	_ =	shalt  }
0x72: {  	_ =	shalt  }
0x73: {  	_ =	shalt  }
0x74: {  	_ =	shalt  }
0x75: {  	_ =	shalt  }
0x76: {  	_ =	shalt  }
0x77: {  	_ =	shalt  }
0x78: {  	_ =	shalt  }
0x79: {  	_ =	shalt  }
0x7a: {  	_ =	shalt  }
0x7b: {  	_ =	shalt  }
0x7c: {  	_ =	shalt  }
0x7d: {  	_ =	shalt  }
0x7e: {  	_ =	shalt  }
0x7f: {  	_ =	shalt  }
0x80: {  	_ =	shalt  }
0x81: {  	_ =	shalt  }
0x82: {  	_ =	shalt  }
0x83: {  	_ =	shalt  }
0x84: {  	_ =	shalt  }
0x85: {  	_ =	shalt  }
0x86: {  	_ =	shalt  }
0x87: {  	_ =	shalt  }
.Lfunc_end0:
.L_simem_size_0:
called_computation.1_lowered:
.L_overlay_start_0:
0x88: {  	s2 =	sld [smem:$0x3FD9]  }
0x89: {  	s3 =	sld [smem:$0x3FFE];
	_ =	sdelay $0x1  }
0x8a: {  	s1 =	srdreg.scid  }
0x8b: {  	s0 =	sand.u32 $0x1, s1  }
0x8c: {  	s16 =	sshll.u32 s0, $0xA;
	s2 =	sadd.s32 s3, s2  }
0x8d: {  	s2 =	sadd.s32 s2, s16  }
0x8e: {  	[smem:$0x3FBD] =	sst s2  }
0x8f: {  	_ = 	snop  }
0x90: {  	(tm) =	ssettm $0x1  }
0x91: {  	s17 =	sld [smem:$0x3FFB];
	_ =	sdelay $0x3  }
0x92: {  	_ =	strace s17  }
0x93: {  	s2 =	sld [smem:$0x3FFC];
	_ =	sdelay $0x3  }
0x94: {  	_ =	strace s2  }
0x95: {  	s2 =	sld [smem:$0x3FFD];
	_ =	sdelay $0x3  }
0x96: {  	_ =	strace s2  }
0x97: {  	_ =	strace $0x8FFFFFFF  }
0x98: {  	s18 =	sld [smem:$0x3FDB];
	_ =	sdelay $0x1  }
0x99: {  	s19 =	simm.s32 $_scs_section_size  }
0x9a: {  	s4 =	simm.s32 $_size__tile_overlayer_lowered;
	s5 =	simm.s32 $_tile_overlayer_lowered  }
0x9b: {  	s22 =	simm.s32 $0x1BFF;
	s21 =	sshll.u32 s5, $0x1;
	s2 =	sadd.s32 s19, s18  }
0x9c: {  	s6 =	simm.s32 $0x0;
	s20 =	sshll.u32 s4, $0x1;
	s4 =	sadd.s32 s21, s2  }
0x9d: {  	[timem:s6], [sflag:s22] =	dma.local [hbm:s4], s20  }
0x9e: {  	_ =	swait.ge [sflag:s22], s20  }
0x9f: {  	s3 =	ssub.s32 $0x0, s20;
	[sflag:s22] =	ssyncset.done $0x0  }
0xa0: {  	[sflag:s22] =	ssyncadd.s32 s3;
	_ =	sdelay $0x1  }
0xa1: {  	s23 =	simm.s32 $0x1B8B  }
0xa2: {  	_ =	swait.ge [sflag:s23], $0x1  }
0xa3: {  	[sflag:s23] =	ssyncset.done $0x0  }
0xa4: {  	s25 =	simm.s32 $0x1B8E;
	s24 =	sld [smem:$0x3FFE];
	[sflag:s23] =	ssyncadd.s32 $0xFFFFFFFF  }
0xa5: {  	s26 =	simm.s32 $execute0_lowered;
	[smem:$0x3FD2] =	sst s25  }
0xa6: {  	s4 =	sshll.u32 s26, $0x1;
	_ =	strace $0x80000049;
	[dreg:$0x1] =	wrdreg $0xFFFFFFFF  }
0xa7: {  	s28 =	simm.s32 $_size_execute0_lowered;
	s2 =	sadd.s32 s2, s4;
	[dreg:$0x0] =	wrdreg $0x0  }
0xa8: {  	s4 =	sshll.u32 s28, $0x1;
	[dreg:$0x2] =	wrdreg s2  }
0xa9: {  	[dreg:$0x3] =	wrdreg s4  }
0xaa: {  	[dreg:$0x4] =	wrdreg $0xC0  }
0xab: {  	_ =	task [dreg:s6], $0x5FFFF  }
0xac: {  	[dreg:$0x1] =	wrdreg $0xFFFFFFFF  }
0xad: {  	[dreg:$0x0] =	wrdreg $0x60  }
0xae: {  	[dreg:$0x2] =	wrdreg s24  }
0xaf: {  	[dreg:$0x3] =	wrdreg $0xB6800  }
0xb0: {  	[dreg:$0x4] =	wrdreg $0x9  }
0xb1: {  	_ =	task.clear_ibuf [dreg:s6], $0x5FFFF;
	_ =	strace $0x90000049  }
0xb2: {  	s29 =	simm.s32 $0x9;
	_ =	strace $0x8000004B  }
0xb3: {  	_ =	swait.ge [sflag:s29], $0x1  }
0xb4: {  	[sflag:s29] =	ssyncadd.s32 $0xFFFFFFFF  }
0xb5: {  	_ =	strace $0x9000004B  }
0xb6: {  	_ =	sfence  }
0xb7: {  	s30 =	sld [smem:$0x0];
	_ =	sdelay $0x2  }
0xb8: {  	s31 =	sshll.u32 s1, $0xD;
	s1 =	sshrl.u32 s1, $0x2  }
0xb9: {  	s3 =	sand.u32 $0x4000, s31;
	s1 =	sadd.s32 s1, s30  }
0xba: {  	s0 =	sor.u32 s3, s0;
	s1 =	sshll.u32 s1, $0x11  }
0xbb: {  	s0 =	sor.u32 s1, s0  }
0xbc: {  	s0 =	sadd.s32 $0x8F2B, s0  }
0xbd: {  	[sflag:s0] =	ssyncadd.remote.s32 $0x1  }
0xbe: {  	_ =	sfence.sel $0xFFFF  }
0xbf: {  	[dreg:$0x0] =	wrdreg $0xFFFFFFFF;
	(pc) =	sbr.abs _section_cstart, $3  }
0xc0: {  	[dreg:$0x1] =	wrdreg $0xFFFFFFFF  }
0xc1: {  	_ =	task.clear_ibuf [dreg:s6], $0x2FFFF;
	_ =	strace $0x9FFFFFFF  }
0xc2: {  	(tm) =	ssettm $0x7FFFFFFF  }
0xc3: {  	_ =	shalt  }
tec
execute0_lowered:
.L_overlay_start_1:
0x0: {  	(tag) =	ssettag $0x1  }
0x1: {  	s1 =	srdreg.scid;
	s6 =	rddreg [dreg:$0x0]  }
0x2: {  	s0 =	stileid.u32;
	s2 =	rddreg [dreg:$0x1]  }
0x3: {  	s15 =	simm.s32 $0x2780;
	s16 =	simm.s32 $0x7680;
	s17 =	simm.s32 $0x40  }
0x4: {  	s18 =	simm.s32 $0x2;
	s19 =	simm.s32 $0x7600;
	s20 =	simm.s32 $0x9680  }
0x5: {  	s21 =	simm.s32 $0x0;
	s5 =	sand.u32 $0x1, s1;
	s26 =	smul.u32 $0x14000, s0  }
0x6: {  	s24 =	sshll.u32 s0, $0x1;
	s25 =	sshrl.u32 s0, $0x2;
	s28 =	smul.u32 $0x50000, s0  }
0x7: {  	s1 =	rddreg [dreg:$0x2];
	s31 =	sshll.u32 s0, $0x6;
	s4 =	smul.u32 $0x13C00, s25  }
0x8: {  	s3 =	sor.u32 s5, s24;
	s9 =	smul.u32 $0x140000, s5;
	s5 =	ssub.s32 $0x2, s5  }
0x9: {  	s7 =	sshll.u32 s3, $0x7;
	s8 =	smul.u32 $0x9E0, s3;
	s3 =	simm.s32 $0x0  }
0xa: {  	s11 =	sshrl.u32 s26, $0x3;
	s29 =	sshrl.u32 s5, $0x1;
	s30 =	sshrl.u32 s28, $0x2  }
0xb: {  	s7 =	sand.u32 $0x380, s7;
	[smem:$0x7FF] =	sst s3;
	s11 =	sadd.s32 s11, s6  }
0xc: {  	s13 =	ssub.s32 s5, s29;
	s14 =	sadd.s32 s30, s2;
	s4 =	sor.u32 s4, s7  }
0xd: {  	_ =	strace $0x8000004A;
	s8 =	sadd.s32 s8, s6;
	s7 =	sadd.s32 s26, s9  }
0xe: {  	s5 =	sadd.s32 $0xCC00, s11;
	s11 =	sshrl.u32 s14, $0x3;
	s14 =	simm.s32 $0x400  }
0xf: {  	s4 =	sshrl.u32 s4, $0x3;
	s7 =	sshrl.u32 s7, $0x3;
	s8 =	sadd.s32 $0x85400, s8  }
0x10: {  	s10 =	sadd.s32 s4, s6;
	s4 =	sadd.s32 $0x34C00, s6;
	s12 =	sadd.s32 s7, s6  }
0x11: {  	s6 =	sor.u32 $0x1C03, s31;
	s7 =	sadd.s32 $0x99000, s10;
	s9 =	sadd.s32 $0xA2E00, s12  }
0x12: {  	s10 =	smax.u32 s13, $0x1;
	s12 =	simm.s32 $0x3;
	s13 =	simm.s32 $0x80  }
.LBB2_1:
0x13: {  	[spmem:s11], [sflag:s6] =	dma.local [hbm:s5], $0x2800  }
0x14: {  	_ =	swait.ge [sflag:s12], $0x2800  }
0x15: {  	[sflag:s12] =	ssyncset.done $0x0  }
0x16: {  	[sflag:s12] =	ssyncadd.s32 $0xFFFFD800  }
0x17: {  	[tilespmem:s3], [sflag:$0x3] =	stream.strided.gather [hbm4b:s7+s13], $0x2780, s14, s13, $0x38;
	[tilespmem:$0x1F680] =	vst v63  }
0x18: {  	_ =	swait.ge [sflag:s12], $0x2780  }
0x19: {  	[sflag:s12] =	ssyncset.done $0x0  }
0x1a: {  	[sflag:s12] =	ssyncadd.s32 $0xFFFFD880  }
0x1b: {  	[tilespmem:s15], [sflag:$0x3] =	stream.linear.gather [hbm4b:s8+s3], $0x4F00, $0x38;
	[tilespmem:$0x1F680] =	vst v63  }
0x1c: {  	_ =	swait.ge [sflag:s12], $0x4F00  }
0x1d: {  	s22 =	sand.u32 $0x1, s3;
	[sflag:s12] =	ssyncset.done $0x0  }
0x1e: {  	s28 =	sand.u32 $0x1FC00, s3;
	s23 =	sadd.s32 $0x1, s22;
	[sflag:s12] =	ssyncadd.s32 $0xFFFFB100  }
0x1f: {  	s24 =	sxor.u32 $0x1, s22;
	s25 =	sshll.u32 s22, $0x7;
	[bflag:$0x0] =	sbarrier.arrive $0xFFFF  }
0x20: {  	[tilespmem:s16], [sflag:$0x1] =	stream.indirect.gather [hbm4b:s4+s17], $0x80, s3, s17, $0xb8;
	[tilespmem:$0x1F680] =	vst v63  }
0x21: {  	s30 =	sshrl.u32 s28, $0x2;
	s22 =	sshll.u32 s22, $0xD;
	_ =	swait.ge [sflag:s23], $0x2000  }
0x22: {  	s26 =	sshll.u32 s24, $0xD;
	s24 =	sadd.s32 $0x1, s24;
	[sflag:s23] =	ssyncset.done $0x0  }
0x23: {  	s31 =	sor.u32 s25, s30;
	s29 =	sadd.s32 $0x7680, s26;
	[sflag:s23] =	ssyncadd.s32 $0xFFFFE000  }
0x24: {  	[tilespmem:s29], [sflag:s24] =	stream.indirect.gather [hbm4b:s4+s17], $0x80, s17, s17, $0xb8;
	[tilespmem:$0x1F680] =	vst v63  }
0x25: {  	s22 =	sadd.s32 $0x7680, s22;
	s23 =	sadd.s32 $0x2780, s31;
	s24 =	simm.s32 $0x0  }
0x26: {  	[spmem:s2] =	stream.indirect.scatter.add.f32 [tilespmem:s22], [sflag:$0x3], $0x80, s23, s17, $0xb8;
	[tilespmem:$0x1F680] =	vst v63  }
0x27: {  	s22 =	simm.s32 $0x1;
	s23 =	simm.s32 $0x40;
	_ =	swait.ge [sflag:s12], $0x2000  }
.LBB2_2:
0x28: {  	[sflag:s12] =	ssyncset.done $0x0;
	s23 =	sadd.s32 $0x40, s23;
	s24 =	sadd.s32 $0x200, s24  }
0x29: {  	s25 =	sand.u32 $0x1, s22;
	p0 =	sne.s32 s22, $0x9C;
	[sflag:s12] =	ssyncadd.s32 $0xFFFFE000  }
0x2a: {  	s26 =	sadd.s32 $0x1, s25;
	s28 =	sxor.u32 $0x1, s25;
	s29 =	sshll.u32 s25, $0x7  }
0x2b: {  	s25 =	sshll.u32 s25, $0xD;
	s30 =	sshll.u32 s28, $0xD;
	_ =	swait.ge [sflag:s26], $0x2000  }
0x2c: {  	s31 =	sand.u32 $0x1FC00, s24;
	s28 =	sadd.s32 $0x1, s28;
	[sflag:s26] =	ssyncset.done $0x0  }
0x2d: {  	[sflag:s26] =	ssyncadd.s32 $0xFFFFE000;
	s26 =	sadd.s32 $0x7680, s30;
	s30 =	sshrl.u32 s31, $0x2  }
0x2e: {  	[tilespmem:s26], [sflag:s28] =	stream.indirect.gather [hbm4b:s4+s17], $0x80, s23, s17, $0xb8;
	[tilespmem:$0x1F680] =	vst v63  }
.Ltmp0:
0x2f: {  	_ = 	snop;
	(pc) =	sbr.rel @p0 .LBB2_2-.Ltmp0, $4  }
0x30: {  	s22 =	sadd.s32 $0x1, s22;
	s25 =	sadd.s32 $0x7680, s25;
	s26 =	sor.u32 s29, s30  }
0x31: {  	s26 =	sadd.s32 $0x2780, s26  }
0x32: {  	[spmem:s2] =	stream.indirect.scatter.add.f32 [tilespmem:s25], [sflag:$0x3], $0x80, s26, s17, $0xb8;
	[tilespmem:$0x1F680] =	vst v63  }
0x33: {  	_ =	swait.ge [sflag:s12], $0x2000  }
0x34: {  	[sflag:s12] =	ssyncset.done $0x0  }
0x35: {  	[sflag:s12] =	ssyncadd.s32 $0xFFFFE000  }
0x36: {  	_ =	swait.ge [sflag:s18], $0x2000  }
0x37: {  	[sflag:s18] =	ssyncset.done $0x0  }
0x38: {  	[sflag:s18] =	ssyncadd.s32 $0xFFFFE000  }
0x39: {  	[spmem:s2] =	stream.indirect.scatter.add.f32 [tilespmem:s20], [sflag:$0x3], $0x80, s19, s17, $0xb8;
	[tilespmem:$0x1F680] =	vst v63  }
0x3a: {  	_ =	swait.ge [sflag:s12], $0x2000  }
0x3b: {  	s21 =	sadd.s32 $0x1, s21;
	[sflag:s12] =	ssyncset.done $0x0  }
0x3c: {  	p0 =	sne.s32 s21, s10;
	[sflag:s12] =	ssyncadd.s32 $0xFFFFE000  }
.Ltmp1:
0x3d: {  	[bflag:$0x0] =	sbarrier.arrive $0xFFFF;
	(pc) =	sbr.rel @p0 .LBB2_1-.Ltmp1, $4  }
0x3e: {  	[hbm:s9], [sflag:s6] =	dma.local [spmem:s11], $0x2800  }
0x3f: {  	_ =	swait.ge [sflag:s12], $0x2800  }
0x40: {  	[sflag:s12] =	ssyncset.done $0x0  }
0x41: {  	[sflag:s12] =	ssyncadd.s32 $0xFFFFD800  }
0x42: {  	_ =	sfence.sel $0x180000  }
0x43: {  	[bflag:$0x0] =	sbarrier.arrive $0xFFFF  }
0x44: {  	p0 =	sne.s32 s0, $0x0;
	_ =	strace $0x9000004A  }
0x45: {  	s0 =	sadd.s32 @!p0 $0x100000, s1;
	[bflag:$0x2] =	sbarrier.arrive $0xFFFF  }
0x46: {  	[sflag:s0] =	ssyncadd.tile.s32 @!p0 $0x1;
	_ =	shalt  }
.Lfunc_end2:
_tile_overlayer_lowered:
.L_overlay_start_2:
0x47: {  	(tag) =	ssettag $0x2  }
0x48: {  	s0 =	rddreg [dreg:$0x0];
	s2 =	stileid.u32  }
0x49: {  	s1 =	rddreg [dreg:$0x1];
	p0 =	sne.s32 s2, $0x0  }
0x4a: {  	s3 =	rddreg [dreg:$0x2];
	[bflag:$0x3] =	sbarrier.arrive $0xFFFF;
	s2 =	simm.s32 @!p0 $0x1C03  }
0x4b: {  	[timem:s3], [sflag:s2] =	dma.local @!p0 [hbm:s0], s1  }
0x4c: {  	s0 =	simm.s32 @!p0 $0x3  }
0x4d: {  	_ =	swait.ge @!p0 [sflag:s0], s1  }
0x4e: {  	s1 =	ssub.s32 @!p0 $0x0, s1;
	[sflag:s0] =	ssyncset.done @!p0 $0x0  }
0x4f: {  	[sflag:s0] =	ssyncadd.s32 @!p0 s1  }
0x50: {  	[bflag:$0x3] =	sbarrier.arrive $0xFFFF  }
0x51: {  	_ =	shalt  }

// kernel: kernel.15.cloned.1.call-start
scs
__scs_entry_jumppad:
0x0: {  	(pc) =	sbr.rel $0x88, $3  }
0x1: {  	(tag) =	ssettag $0x0;
	lr =	simm.s32 $0x1  }
0x2: {  	[smem:$0x3F96] =	sst lr;
	_ =	strace $0xD0000000  }
0x3: {  	_ = 	snop  }
0x4: {  	_ = 	snop  }
0x5: {  	_ = 	snop  }
0x6: {  	_ = 	snop  }
0x7: {  	_ = 	snop  }
__scs_overlays_trampoline_lowered:
0x8: {  	[smem:$0x3FA5] =	sst s0  }
0x9: {  	[smem:$0x3FA6] =	sst s1  }
0xa: {  	[smem:$0x3FA7] =	sst s2  }
0xb: {  	[smem:$0x3FA8] =	sst s3  }
0xc: {  	[smem:$0x3FA9] =	sst s4  }
0xd: {  	[smem:$0x3FAA] =	sst s5  }
0xe: {  	[smem:$0x3FAB] =	sst s6  }
0xf: {  	[smem:$0x3FAC] =	sst s7  }
0x10: {  	[smem:$0x3FAD] =	sst s8  }
0x11: {  	[smem:$0x3FAE] =	sst s9;
	s0 =	simm.s32 @!p0 $0x0  }
0x12: {  	s1 =	sld [smem:$0x3F94];
	s0 =	simm.s32 @p0 $0x1  }
0x13: {  	[smem:$0x3FAF] =	sst s0;
	s0 =	simm.s32 @!p1 $0x0  }
0x14: {  	s2 =	sld [smem:$0x3F93];
	s0 =	simm.s32 @p1 $0x1  }
0x15: {  	[smem:$0x3FB0] =	sst s0;
	s0 =	simm.s32 @!p2 $0x0  }
0x16: {  	s3 =	sld [smem:$0x3FDB];
	s0 =	simm.s32 @p2 $0x1  }
0x17: {  	s4 =	simm.s32 $0x1BF5;
	[smem:$0x3FB2] =	sst s0  }
0x18: {  	s0 =	sld [smem:$0x3F95];
	_ =	swait.ge [sflag:s4], $0x0  }
0x19: {  	s7 =	sld [smem:$0x3F96]  }
0x1a: {  	s8 =	sadd.s32 $0xFFFFE003, lr  }
0x1b: {  	s9 =	sadd.s32 $0xFFFFFEF7, lr;
	s5 =	simm.s32 $0xFFFFFFFF;
	p2 =	slt.u32 s8, $0xFFFFF086  }
0x1c: {  	p1 =	slt.u32 s9, $0xF7A;
	s5 =	simm.s32 @!p2 $0x0  }
0x1d: {  	s5 =	simm.s32 @p1 $0x1;
	p0 =	seq.s32 s7, s2  }
0x1e: {  	s7 =	smul.u32 @!p0 $0xF7A, s2;
	p2 =	seq.s32 @!p0 s5, $0x0  }
0x1f: {  	s9 =	smul.u32 $0xF7A, s1;
	s8 =	simm.s32 @!p0 $0x1BF5;
	p2 =	por !p2, p0  }
0x20: {  	[sflag:s8] =	ssyncset.s32 @!p0 $0xFFFFF086;
	s6 =	sadd.s32 @!p0 s3, s7;
	s7 =	simm.s32 @!p0 $0x108  }
0x21: {  	s3 =	sadd.s32 s3, s9;
	s6 =	sadd.s32 @!p0 $0x88, s6;
	s7 =	simm.s32 @p2 $0x1082  }
0x22: {  	[simem:s7], [sflag:s8] =	dma.local @!p0 [hbm:s6], $0xF7A  }
0x23: {  	s9 =	sor.u32 $0xD0000000, s2;
	s6 =	simm.s32 $0x108;
	_ =	swait.ge @!p0 [sflag:s8], $0x0  }
0x24: {  	s3 =	sadd.s32 $0x88, s3;
	s6 =	simm.s32 @!p1 $0x1082;
	[sflag:s4] =	ssyncset.s32 $0xFFFFF086  }
0x25: {  	[simem:s6], [sflag:s4] =	dma.local [hbm:s3], $0xF7A  }
0x26: {  	[smem:$0x3F96] =	sst s1;
	(tag) =	ssettag s2;
	_ =	strace s9  }
0x27: {  	s1 =	sld [smem:$0x3FA6]  }
0x28: {  	s2 =	sld [smem:$0x3FA7]  }
0x29: {  	s4 =	sld [smem:$0x3FA9]  }
0x2a: {  	p0 =	seq.s32 s5, $0x0;
	s5 =	sld [smem:$0x3FAA]  }
0x2b: {  	s6 =	sld [smem:$0x3FAB]  }
0x2c: {  	s7 =	sld [smem:$0x3FAC]  }
0x2d: {  	s3 =	simm.s32 $0x108;
	s8 =	sld [smem:$0x3FAD]  }
0x2e: {  	s3 =	simm.s32 @!p0 $0x1082;
	s9 =	sld [smem:$0x3FAE]  }
0x2f: {  	lr =	sadd.s32 s0, s3;
	s0 =	sld [smem:$0x3FA5]  }
0x30: {  	s3 =	sld [smem:$0x3FA8]  }
0x31: {  	[smem:$0x3FB1] =	sst s10  }
0x32: {  	s10 =	sld [smem:$0x3FAF];
	_ =	sdelay $0x3  }
0x33: {  	p0 =	seq.s32 s10, $0x1;
	s10 =	sld [smem:$0x3FB1];
	_ =	sdelay $0x3  }
0x34: {  	[smem:$0x3FB1] =	sst s10  }
0x35: {  	s10 =	sld [smem:$0x3FB0];
	_ =	sdelay $0x3  }
0x36: {  	p1 =	seq.s32 s10, $0x1;
	s10 =	sld [smem:$0x3FB1];
	_ =	sdelay $0x3  }
0x37: {  	[smem:$0x3FB1] =	sst s10  }
0x38: {  	s10 =	sld [smem:$0x3FB2]  }
0x39: {  	_ = 	snop;
	(pc) =	sbr.ind lr, $3  }
0x3a: {  	_ = 	snop  }
0x3b: {  	_ = 	snop  }
0x3c: {  	p2 =	seq.s32 s10, $0x1;
	s10 =	sld [smem:$0x3FB1]  }
0x3d: {  	_ =	shalt  }
0x3e: {  	_ =	shalt  }
0x3f: {  	_ =	shalt  }
0x40: {  	_ =	shalt  }
0x41: {  	_ =	shalt  }
0x42: {  	_ =	shalt  }
0x43: {  	_ =	shalt  }
0x44: {  	_ =	shalt  }
0x45: {  	_ =	shalt  }
0x46: {  	_ =	shalt  }
0x47: {  	_ =	shalt  }
0x48: {  	_ =	shalt  }
0x49: {  	_ =	shalt  }
0x4a: {  	_ =	shalt  }
0x4b: {  	_ =	shalt  }
0x4c: {  	_ =	shalt  }
0x4d: {  	_ =	shalt  }
0x4e: {  	_ =	shalt  }
0x4f: {  	_ =	shalt  }
0x50: {  	_ =	shalt  }
0x51: {  	_ =	shalt  }
0x52: {  	_ =	shalt  }
0x53: {  	_ =	shalt  }
0x54: {  	_ =	shalt  }
0x55: {  	_ =	shalt  }
0x56: {  	_ =	shalt  }
0x57: {  	_ =	shalt  }
0x58: {  	_ =	shalt  }
0x59: {  	_ =	shalt  }
0x5a: {  	_ =	shalt  }
0x5b: {  	_ =	shalt  }
0x5c: {  	_ =	shalt  }
0x5d: {  	_ =	shalt  }
0x5e: {  	_ =	shalt  }
0x5f: {  	_ =	shalt  }
0x60: {  	_ =	shalt  }
0x61: {  	_ =	shalt  }
0x62: {  	_ =	shalt  }
0x63: {  	_ =	shalt  }
0x64: {  	_ =	shalt  }
0x65: {  	_ =	shalt  }
0x66: {  	_ =	shalt  }
0x67: {  	_ =	shalt  }
0x68: {  	_ =	shalt  }
0x69: {  	_ =	shalt  }
0x6a: {  	_ =	shalt  }
0x6b: {  	_ =	shalt  }
0x6c: {  	_ =	shalt  }
0x6d: {  	_ =	shalt  }
0x6e: {  	_ =	shalt  }
0x6f: {  	_ =	shalt  }
0x70: {  	_ =	shalt  }
0x71: {  	_ =	shalt  }
0x72: {  	_ =	shalt  }
0x73: {  	_ =	shalt  }
0x74: {  	_ =	shalt  }
0x75: {  	_ =	shalt  }
0x76: {  	_ =	shalt  }
0x77: {  	_ =	shalt  }
0x78: {  	_ =	shalt  }
0x79: {  	_ =	shalt  }
0x7a: {  	_ =	shalt  }
0x7b: {  	_ =	shalt  }
0x7c: {  	_ =	shalt  }
0x7d: {  	_ =	shalt  }
0x7e: {  	_ =	shalt  }
0x7f: {  	_ =	shalt  }
0x80: {  	_ =	shalt  }
0x81: {  	_ =	shalt  }
0x82: {  	_ =	shalt  }
0x83: {  	_ =	shalt  }
0x84: {  	_ =	shalt  }
0x85: {  	_ =	shalt  }
0x86: {  	_ =	shalt  }
0x87: {  	_ =	shalt  }
.Lfunc_end0:
.L_simem_size_0:
called_computation.2_lowered:
.L_overlay_start_0:
0x88: {  	s2 =	sld [smem:$0x3FD9]  }
0x89: {  	s3 =	sld [smem:$0x3FFE];
	_ =	sdelay $0x1  }
0x8a: {  	s1 =	srdreg.scid  }
0x8b: {  	s0 =	sand.u32 $0x1, s1  }
0x8c: {  	s16 =	sshll.u32 s0, $0xA;
	s2 =	sadd.s32 s3, s2  }
0x8d: {  	s2 =	sadd.s32 s2, s16  }
0x8e: {  	[smem:$0x3FBD] =	sst s2  }
0x8f: {  	_ = 	snop  }
0x90: {  	(tm) =	ssettm $0x1  }
0x91: {  	s17 =	sld [smem:$0x3FFB];
	_ =	sdelay $0x3  }
0x92: {  	_ =	strace s17  }
0x93: {  	s2 =	sld [smem:$0x3FFC];
	_ =	sdelay $0x3  }
0x94: {  	_ =	strace s2  }
0x95: {  	s2 =	sld [smem:$0x3FFD];
	_ =	sdelay $0x3  }
0x96: {  	_ =	strace s2  }
0x97: {  	_ =	strace $0x8FFFFFFF  }
0x98: {  	s18 =	sld [smem:$0x3FDB];
	_ =	sdelay $0x1  }
0x99: {  	s19 =	simm.s32 $_scs_section_size  }
0x9a: {  	s4 =	simm.s32 $_size__tile_overlayer_lowered;
	s5 =	simm.s32 $_tile_overlayer_lowered  }
0x9b: {  	s22 =	simm.s32 $0x1BFF;
	s21 =	sshll.u32 s5, $0x1;
	s2 =	sadd.s32 s19, s18  }
0x9c: {  	s6 =	simm.s32 $0x0;
	s20 =	sshll.u32 s4, $0x1;
	s4 =	sadd.s32 s21, s2  }
0x9d: {  	[timem:s6], [sflag:s22] =	dma.local [hbm:s4], s20  }
0x9e: {  	_ =	swait.ge [sflag:s22], s20  }
0x9f: {  	s3 =	ssub.s32 $0x0, s20;
	[sflag:s22] =	ssyncset.done $0x0  }
0xa0: {  	[sflag:s22] =	ssyncadd.s32 s3;
	_ =	sdelay $0x1  }
0xa1: {  	s23 =	simm.s32 $0x1B8B  }
0xa2: {  	_ =	swait.ge [sflag:s23], $0x1  }
0xa3: {  	[sflag:s23] =	ssyncset.done $0x0  }
0xa4: {  	s25 =	simm.s32 $0x1B8E;
	s24 =	sld [smem:$0x3FFE];
	[sflag:s23] =	ssyncadd.s32 $0xFFFFFFFF  }
0xa5: {  	s26 =	simm.s32 $execute0_lowered;
	[smem:$0x3FD2] =	sst s25  }
0xa6: {  	s4 =	sshll.u32 s26, $0x1;
	_ =	strace $0x8000004C;
	[dreg:$0x1] =	wrdreg $0xFFFFFFFF  }
0xa7: {  	s28 =	simm.s32 $_size_execute0_lowered;
	s2 =	sadd.s32 s2, s4;
	[dreg:$0x0] =	wrdreg $0x0  }
0xa8: {  	s4 =	sshll.u32 s28, $0x1;
	[dreg:$0x2] =	wrdreg s2  }
0xa9: {  	[dreg:$0x3] =	wrdreg s4  }
0xaa: {  	[dreg:$0x4] =	wrdreg $0xC0  }
0xab: {  	_ =	task [dreg:s6], $0x5FFFF  }
0xac: {  	[dreg:$0x1] =	wrdreg $0xFFFFFFFF  }
0xad: {  	[dreg:$0x0] =	wrdreg $0x60  }
0xae: {  	[dreg:$0x2] =	wrdreg s24  }
0xaf: {  	[dreg:$0x3] =	wrdreg $0xB6800  }
0xb0: {  	[dreg:$0x4] =	wrdreg $0x9  }
0xb1: {  	_ =	task.clear_ibuf [dreg:s6], $0x5FFFF;
	_ =	strace $0x9000004C  }
0xb2: {  	s29 =	simm.s32 $0x9;
	_ =	strace $0x8000004E  }
0xb3: {  	_ =	swait.ge [sflag:s29], $0x1  }
0xb4: {  	[sflag:s29] =	ssyncadd.s32 $0xFFFFFFFF  }
0xb5: {  	_ =	strace $0x9000004E  }
0xb6: {  	_ =	sfence  }
0xb7: {  	s30 =	sld [smem:$0x0];
	_ =	sdelay $0x2  }
0xb8: {  	s31 =	sshll.u32 s1, $0xD;
	s1 =	sshrl.u32 s1, $0x2  }
0xb9: {  	s3 =	sand.u32 $0x4000, s31;
	s1 =	sadd.s32 s1, s30  }
0xba: {  	s0 =	sor.u32 s3, s0;
	s1 =	sshll.u32 s1, $0x11  }
0xbb: {  	s0 =	sor.u32 s1, s0  }
0xbc: {  	s0 =	sadd.s32 $0x8F2B, s0  }
0xbd: {  	[sflag:s0] =	ssyncadd.remote.s32 $0x1  }
0xbe: {  	_ =	sfence.sel $0xFFFF  }
0xbf: {  	[dreg:$0x0] =	wrdreg $0xFFFFFFFF;
	(pc) =	sbr.abs _section_cstart, $3  }
0xc0: {  	[dreg:$0x1] =	wrdreg $0xFFFFFFFF  }
0xc1: {  	_ =	task.clear_ibuf [dreg:s6], $0x2FFFF;
	_ =	strace $0x9FFFFFFF  }
0xc2: {  	(tm) =	ssettm $0x7FFFFFFF  }
0xc3: {  	_ =	shalt  }
tec
execute0_lowered:
.L_overlay_start_1:
0x0: {  	(tag) =	ssettag $0x1  }
0x1: {  	s1 =	srdreg.scid;
	s6 =	rddreg [dreg:$0x0]  }
0x2: {  	s0 =	stileid.u32;
	s2 =	rddreg [dreg:$0x1]  }
0x3: {  	s15 =	simm.s32 $0x2780;
	s16 =	simm.s32 $0x7680;
	s17 =	simm.s32 $0x40  }
0x4: {  	s18 =	simm.s32 $0x2;
	s19 =	simm.s32 $0x7600;
	s20 =	simm.s32 $0x9680  }
0x5: {  	s21 =	simm.s32 $0x0;
	s5 =	sand.u32 $0x1, s1;
	s26 =	smul.u32 $0x14000, s0  }
0x6: {  	s24 =	sshll.u32 s0, $0x1;
	s25 =	sshrl.u32 s0, $0x2;
	s28 =	smul.u32 $0x50000, s0  }
0x7: {  	s1 =	rddreg [dreg:$0x2];
	s31 =	sshll.u32 s0, $0x6;
	s4 =	smul.u32 $0x13C00, s25  }
0x8: {  	s3 =	sor.u32 s5, s24;
	s9 =	smul.u32 $0x140000, s5;
	s5 =	ssub.s32 $0x2, s5  }
0x9: {  	s7 =	sshll.u32 s3, $0x7;
	s8 =	smul.u32 $0x9E0, s3;
	s3 =	simm.s32 $0x0  }
0xa: {  	s11 =	sshrl.u32 s26, $0x3;
	s29 =	sshrl.u32 s5, $0x1;
	s30 =	sshrl.u32 s28, $0x2  }
0xb: {  	s7 =	sand.u32 $0x380, s7;
	[smem:$0x7FF] =	sst s3;
	s11 =	sadd.s32 s11, s6  }
0xc: {  	s13 =	ssub.s32 s5, s29;
	s14 =	sadd.s32 s30, s2;
	s4 =	sor.u32 s4, s7  }
0xd: {  	_ =	strace $0x8000004D;
	s8 =	sadd.s32 s8, s6;
	s7 =	sadd.s32 s26, s9  }
0xe: {  	s5 =	sadd.s32 $0xCC00, s11;
	s11 =	sshrl.u32 s14, $0x3;
	s14 =	simm.s32 $0x400  }
0xf: {  	s4 =	sshrl.u32 s4, $0x3;
	s7 =	sshrl.u32 s7, $0x3;
	s8 =	sadd.s32 $0x85400, s8  }
0x10: {  	s10 =	sadd.s32 s4, s6;
	s4 =	sadd.s32 $0x34C00, s6;
	s12 =	sadd.s32 s7, s6  }
0x11: {  	s6 =	sor.u32 $0x1C03, s31;
	s7 =	sadd.s32 $0x99000, s10;
	s9 =	sadd.s32 $0xA2E00, s12  }
0x12: {  	s10 =	smax.u32 s13, $0x1;
	s12 =	simm.s32 $0x3;
	s13 =	simm.s32 $0x80  }
.LBB2_1:
0x13: {  	[spmem:s11], [sflag:s6] =	dma.local [hbm:s5], $0x2800  }
0x14: {  	_ =	swait.ge [sflag:s12], $0x2800  }
0x15: {  	[sflag:s12] =	ssyncset.done $0x0  }
0x16: {  	[sflag:s12] =	ssyncadd.s32 $0xFFFFD800  }
0x17: {  	[tilespmem:s3], [sflag:$0x3] =	stream.strided.gather [hbm4b:s7+s13], $0x2780, s14, s13, $0x38;
	[tilespmem:$0x1F680] =	vst v63  }
0x18: {  	_ =	swait.ge [sflag:s12], $0x2780  }
0x19: {  	[sflag:s12] =	ssyncset.done $0x0  }
0x1a: {  	[sflag:s12] =	ssyncadd.s32 $0xFFFFD880  }
0x1b: {  	[tilespmem:s15], [sflag:$0x3] =	stream.linear.gather [hbm4b:s8+s3], $0x4F00, $0x38;
	[tilespmem:$0x1F680] =	vst v63  }
0x1c: {  	_ =	swait.ge [sflag:s12], $0x4F00  }
0x1d: {  	s22 =	sand.u32 $0x1, s3;
	[sflag:s12] =	ssyncset.done $0x0  }
0x1e: {  	s28 =	sand.u32 $0x1FC00, s3;
	s23 =	sadd.s32 $0x1, s22;
	[sflag:s12] =	ssyncadd.s32 $0xFFFFB100  }
0x1f: {  	s24 =	sxor.u32 $0x1, s22;
	s25 =	sshll.u32 s22, $0x7;
	[bflag:$0x0] =	sbarrier.arrive $0xFFFF  }
0x20: {  	[tilespmem:s16], [sflag:$0x1] =	stream.indirect.gather [hbm4b:s4+s17], $0x80, s3, s17, $0xb8;
	[tilespmem:$0x1F680] =	vst v63  }
0x21: {  	s30 =	sshrl.u32 s28, $0x2;
	s22 =	sshll.u32 s22, $0xD;
	_ =	swait.ge [sflag:s23], $0x2000  }
0x22: {  	s26 =	sshll.u32 s24, $0xD;
	s24 =	sadd.s32 $0x1, s24;
	[sflag:s23] =	ssyncset.done $0x0  }
0x23: {  	s31 =	sor.u32 s25, s30;
	s29 =	sadd.s32 $0x7680, s26;
	[sflag:s23] =	ssyncadd.s32 $0xFFFFE000  }
0x24: {  	[tilespmem:s29], [sflag:s24] =	stream.indirect.gather [hbm4b:s4+s17], $0x80, s17, s17, $0xb8;
	[tilespmem:$0x1F680] =	vst v63  }
0x25: {  	s22 =	sadd.s32 $0x7680, s22;
	s23 =	sadd.s32 $0x2780, s31;
	s24 =	simm.s32 $0x0  }
0x26: {  	[spmem:s2] =	stream.indirect.scatter.add.f32 [tilespmem:s22], [sflag:$0x3], $0x80, s23, s17, $0xb8;
	[tilespmem:$0x1F680] =	vst v63  }
0x27: {  	s22 =	simm.s32 $0x1;
	s23 =	simm.s32 $0x40;
	_ =	swait.ge [sflag:s12], $0x2000  }
.LBB2_2:
0x28: {  	[sflag:s12] =	ssyncset.done $0x0;
	s23 =	sadd.s32 $0x40, s23;
	s24 =	sadd.s32 $0x200, s24  }
0x29: {  	s25 =	sand.u32 $0x1, s22;
	p0 =	sne.s32 s22, $0x9C;
	[sflag:s12] =	ssyncadd.s32 $0xFFFFE000  }
0x2a: {  	s26 =	sadd.s32 $0x1, s25;
	s28 =	sxor.u32 $0x1, s25;
	s29 =	sshll.u32 s25, $0x7  }
0x2b: {  	s25 =	sshll.u32 s25, $0xD;
	s30 =	sshll.u32 s28, $0xD;
	_ =	swait.ge [sflag:s26], $0x2000  }
0x2c: {  	s31 =	sand.u32 $0x1FC00, s24;
	s28 =	sadd.s32 $0x1, s28;
	[sflag:s26] =	ssyncset.done $0x0  }
0x2d: {  	[sflag:s26] =	ssyncadd.s32 $0xFFFFE000;
	s26 =	sadd.s32 $0x7680, s30;
	s30 =	sshrl.u32 s31, $0x2  }
0x2e: {  	[tilespmem:s26], [sflag:s28] =	stream.indirect.gather [hbm4b:s4+s17], $0x80, s23, s17, $0xb8;
	[tilespmem:$0x1F680] =	vst v63  }
.Ltmp0:
0x2f: {  	_ = 	snop;
	(pc) =	sbr.rel @p0 .LBB2_2-.Ltmp0, $4  }
0x30: {  	s22 =	sadd.s32 $0x1, s22;
	s25 =	sadd.s32 $0x7680, s25;
	s26 =	sor.u32 s29, s30  }
0x31: {  	s26 =	sadd.s32 $0x2780, s26  }
0x32: {  	[spmem:s2] =	stream.indirect.scatter.add.f32 [tilespmem:s25], [sflag:$0x3], $0x80, s26, s17, $0xb8;
	[tilespmem:$0x1F680] =	vst v63  }
0x33: {  	_ =	swait.ge [sflag:s12], $0x2000  }
0x34: {  	[sflag:s12] =	ssyncset.done $0x0  }
0x35: {  	[sflag:s12] =	ssyncadd.s32 $0xFFFFE000  }
0x36: {  	_ =	swait.ge [sflag:s18], $0x2000  }
0x37: {  	[sflag:s18] =	ssyncset.done $0x0  }
0x38: {  	[sflag:s18] =	ssyncadd.s32 $0xFFFFE000  }
0x39: {  	[spmem:s2] =	stream.indirect.scatter.add.f32 [tilespmem:s20], [sflag:$0x3], $0x80, s19, s17, $0xb8;
	[tilespmem:$0x1F680] =	vst v63  }
0x3a: {  	_ =	swait.ge [sflag:s12], $0x2000  }
0x3b: {  	s21 =	sadd.s32 $0x1, s21;
	[sflag:s12] =	ssyncset.done $0x0  }
0x3c: {  	p0 =	sne.s32 s21, s10;
	[sflag:s12] =	ssyncadd.s32 $0xFFFFE000  }
.Ltmp1:
0x3d: {  	[bflag:$0x0] =	sbarrier.arrive $0xFFFF;
	(pc) =	sbr.rel @p0 .LBB2_1-.Ltmp1, $4  }
0x3e: {  	[hbm:s9], [sflag:s6] =	dma.local [spmem:s11], $0x2800  }
0x3f: {  	_ =	swait.ge [sflag:s12], $0x2800  }
0x40: {  	[sflag:s12] =	ssyncset.done $0x0  }
0x41: {  	[sflag:s12] =	ssyncadd.s32 $0xFFFFD800  }
0x42: {  	_ =	sfence.sel $0x180000  }
0x43: {  	[bflag:$0x0] =	sbarrier.arrive $0xFFFF  }
0x44: {  	p0 =	sne.s32 s0, $0x0;
	_ =	strace $0x9000004D  }
0x45: {  	s0 =	sadd.s32 @!p0 $0x100000, s1;
	[bflag:$0x2] =	sbarrier.arrive $0xFFFF  }
0x46: {  	[sflag:s0] =	ssyncadd.tile.s32 @!p0 $0x1;
	_ =	shalt  }
.Lfunc_end2:
_tile_overlayer_lowered:
.L_overlay_start_2:
0x47: {  	(tag) =	ssettag $0x2  }
0x48: {  	s0 =	rddreg [dreg:$0x0];
	s2 =	stileid.u32  }
0x49: {  	s1 =	rddreg [dreg:$0x1];
	p0 =	sne.s32 s2, $0x0  }
0x4a: {  	s3 =	rddreg [dreg:$0x2];
	[bflag:$0x3] =	sbarrier.arrive $0xFFFF;
	s2 =	simm.s32 @!p0 $0x1C03  }
0x4b: {  	[timem:s3], [sflag:s2] =	dma.local @!p0 [hbm:s0], s1  }
0x4c: {  	s0 =	simm.s32 @!p0 $0x3  }
0x4d: {  	_ =	swait.ge @!p0 [sflag:s0], s1  }
0x4e: {  	s1 =	ssub.s32 @!p0 $0x0, s1;
	[sflag:s0] =	ssyncset.done @!p0 $0x0  }
0x4f: {  	[sflag:s0] =	ssyncadd.s32 @!p0 s1  }
0x50: {  	[bflag:$0x3] =	sbarrier.arrive $0xFFFF  }
0x51: {  	_ =	shalt  }

// kernel: kernel.9.cloned.1.call-start
scs
__scs_entry_jumppad:
0x0: {  	(pc) =	sbr.rel $0x88, $3  }
0x1: {  	(tag) =	ssettag $0x0;
	lr =	simm.s32 $0x1  }
0x2: {  	[smem:$0x3F96] =	sst lr;
	_ =	strace $0xD0000000  }
0x3: {  	_ = 	snop  }
0x4: {  	_ = 	snop  }
0x5: {  	_ = 	snop  }
0x6: {  	_ = 	snop  }
0x7: {  	_ = 	snop  }
__scs_overlays_trampoline_lowered:
0x8: {  	[smem:$0x3FA5] =	sst s0  }
0x9: {  	[smem:$0x3FA6] =	sst s1  }
0xa: {  	[smem:$0x3FA7] =	sst s2  }
0xb: {  	[smem:$0x3FA8] =	sst s3  }
0xc: {  	[smem:$0x3FA9] =	sst s4  }
0xd: {  	[smem:$0x3FAA] =	sst s5  }
0xe: {  	[smem:$0x3FAB] =	sst s6  }
0xf: {  	[smem:$0x3FAC] =	sst s7  }
0x10: {  	[smem:$0x3FAD] =	sst s8  }
0x11: {  	[smem:$0x3FAE] =	sst s9;
	s0 =	simm.s32 @!p0 $0x0  }
0x12: {  	s1 =	sld [smem:$0x3F94];
	s0 =	simm.s32 @p0 $0x1  }
0x13: {  	[smem:$0x3FAF] =	sst s0;
	s0 =	simm.s32 @!p1 $0x0  }
0x14: {  	s2 =	sld [smem:$0x3F93];
	s0 =	simm.s32 @p1 $0x1  }
0x15: {  	[smem:$0x3FB0] =	sst s0;
	s0 =	simm.s32 @!p2 $0x0  }
0x16: {  	s3 =	sld [smem:$0x3FDB];
	s0 =	simm.s32 @p2 $0x1  }
0x17: {  	s4 =	simm.s32 $0x1BF5;
	[smem:$0x3FB2] =	sst s0  }
0x18: {  	s0 =	sld [smem:$0x3F95];
	_ =	swait.ge [sflag:s4], $0x0  }
0x19: {  	s7 =	sld [smem:$0x3F96]  }
0x1a: {  	s8 =	sadd.s32 $0xFFFFE003, lr  }
0x1b: {  	s9 =	sadd.s32 $0xFFFFFEF7, lr;
	s5 =	simm.s32 $0xFFFFFFFF;
	p2 =	slt.u32 s8, $0xFFFFF086  }
0x1c: {  	p1 =	slt.u32 s9, $0xF7A;
	s5 =	simm.s32 @!p2 $0x0  }
0x1d: {  	s5 =	simm.s32 @p1 $0x1;
	p0 =	seq.s32 s7, s2  }
0x1e: {  	s7 =	smul.u32 @!p0 $0xF7A, s2;
	p2 =	seq.s32 @!p0 s5, $0x0  }
0x1f: {  	s9 =	smul.u32 $0xF7A, s1;
	s8 =	simm.s32 @!p0 $0x1BF5;
	p2 =	por !p2, p0  }
0x20: {  	[sflag:s8] =	ssyncset.s32 @!p0 $0xFFFFF086;
	s6 =	sadd.s32 @!p0 s3, s7;
	s7 =	simm.s32 @!p0 $0x108  }
0x21: {  	s3 =	sadd.s32 s3, s9;
	s6 =	sadd.s32 @!p0 $0x88, s6;
	s7 =	simm.s32 @p2 $0x1082  }
0x22: {  	[simem:s7], [sflag:s8] =	dma.local @!p0 [hbm:s6], $0xF7A  }
0x23: {  	s9 =	sor.u32 $0xD0000000, s2;
	s6 =	simm.s32 $0x108;
	_ =	swait.ge @!p0 [sflag:s8], $0x0  }
0x24: {  	s3 =	sadd.s32 $0x88, s3;
	s6 =	simm.s32 @!p1 $0x1082;
	[sflag:s4] =	ssyncset.s32 $0xFFFFF086  }
0x25: {  	[simem:s6], [sflag:s4] =	dma.local [hbm:s3], $0xF7A  }
0x26: {  	[smem:$0x3F96] =	sst s1;
	(tag) =	ssettag s2;
	_ =	strace s9  }
0x27: {  	s1 =	sld [smem:$0x3FA6]  }
0x28: {  	s2 =	sld [smem:$0x3FA7]  }
0x29: {  	s4 =	sld [smem:$0x3FA9]  }
0x2a: {  	p0 =	seq.s32 s5, $0x0;
	s5 =	sld [smem:$0x3FAA]  }
0x2b: {  	s6 =	sld [smem:$0x3FAB]  }
0x2c: {  	s7 =	sld [smem:$0x3FAC]  }
0x2d: {  	s3 =	simm.s32 $0x108;
	s8 =	sld [smem:$0x3FAD]  }
0x2e: {  	s3 =	simm.s32 @!p0 $0x1082;
	s9 =	sld [smem:$0x3FAE]  }
0x2f: {  	lr =	sadd.s32 s0, s3;
	s0 =	sld [smem:$0x3FA5]  }
0x30: {  	s3 =	sld [smem:$0x3FA8]  }
0x31: {  	[smem:$0x3FB1] =	sst s10  }
0x32: {  	s10 =	sld [smem:$0x3FAF];
	_ =	sdelay $0x3  }
0x33: {  	p0 =	seq.s32 s10, $0x1;
	s10 =	sld [smem:$0x3FB1];
	_ =	sdelay $0x3  }
0x34: {  	[smem:$0x3FB1] =	sst s10  }
0x35: {  	s10 =	sld [smem:$0x3FB0];
	_ =	sdelay $0x3  }
0x36: {  	p1 =	seq.s32 s10, $0x1;
	s10 =	sld [smem:$0x3FB1];
	_ =	sdelay $0x3  }
0x37: {  	[smem:$0x3FB1] =	sst s10  }
0x38: {  	s10 =	sld [smem:$0x3FB2]  }
0x39: {  	_ = 	snop;
	(pc) =	sbr.ind lr, $3  }
0x3a: {  	_ = 	snop  }
0x3b: {  	_ = 	snop  }
0x3c: {  	p2 =	seq.s32 s10, $0x1;
	s10 =	sld [smem:$0x3FB1]  }
0x3d: {  	_ =	shalt  }
0x3e: {  	_ =	shalt  }
0x3f: {  	_ =	shalt  }
0x40: {  	_ =	shalt  }
0x41: {  	_ =	shalt  }
0x42: {  	_ =	shalt  }
0x43: {  	_ =	shalt  }
0x44: {  	_ =	shalt  }
0x45: {  	_ =	shalt  }
0x46: {  	_ =	shalt  }
0x47: {  	_ =	shalt  }
0x48: {  	_ =	shalt  }
0x49: {  	_ =	shalt  }
0x4a: {  	_ =	shalt  }
0x4b: {  	_ =	shalt  }
0x4c: {  	_ =	shalt  }
0x4d: {  	_ =	shalt  }
0x4e: {  	_ =	shalt  }
0x4f: {  	_ =	shalt  }
0x50: {  	_ =	shalt  }
0x51: {  	_ =	shalt  }
0x52: {  	_ =	shalt  }
0x53: {  	_ =	shalt  }
0x54: {  	_ =	shalt  }
0x55: {  	_ =	shalt  }
0x56: {  	_ =	shalt  }
0x57: {  	_ =	shalt  }
0x58: {  	_ =	shalt  }
0x59: {  	_ =	shalt  }
0x5a: {  	_ =	shalt  }
0x5b: {  	_ =	shalt  }
0x5c: {  	_ =	shalt  }
0x5d: {  	_ =	shalt  }
0x5e: {  	_ =	shalt  }
0x5f: {  	_ =	shalt  }
0x60: {  	_ =	shalt  }
0x61: {  	_ =	shalt  }
0x62: {  	_ =	shalt  }
0x63: {  	_ =	shalt  }
0x64: {  	_ =	shalt  }
0x65: {  	_ =	shalt  }
0x66: {  	_ =	shalt  }
0x67: {  	_ =	shalt  }
0x68: {  	_ =	shalt  }
0x69: {  	_ =	shalt  }
0x6a: {  	_ =	shalt  }
0x6b: {  	_ =	shalt  }
0x6c: {  	_ =	shalt  }
0x6d: {  	_ =	shalt  }
0x6e: {  	_ =	shalt  }
0x6f: {  	_ =	shalt  }
0x70: {  	_ =	shalt  }
0x71: {  	_ =	shalt  }
0x72: {  	_ =	shalt  }
0x73: {  	_ =	shalt  }
0x74: {  	_ =	shalt  }
0x75: {  	_ =	shalt  }
0x76: {  	_ =	shalt  }
0x77: {  	_ =	shalt  }
0x78: {  	_ =	shalt  }
0x79: {  	_ =	shalt  }
0x7a: {  	_ =	shalt  }
0x7b: {  	_ =	shalt  }
0x7c: {  	_ =	shalt  }
0x7d: {  	_ =	shalt  }
0x7e: {  	_ =	shalt  }
0x7f: {  	_ =	shalt  }
0x80: {  	_ =	shalt  }
0x81: {  	_ =	shalt  }
0x82: {  	_ =	shalt  }
0x83: {  	_ =	shalt  }
0x84: {  	_ =	shalt  }
0x85: {  	_ =	shalt  }
0x86: {  	_ =	shalt  }
0x87: {  	_ =	shalt  }
.Lfunc_end0:
.L_simem_size_0:
called_computation_lowered:
.L_overlay_start_0:
0x88: {  	s2 =	sld [smem:$0x3FD9]  }
0x89: {  	s3 =	sld [smem:$0x3FFE];
	_ =	sdelay $0x1  }
0x8a: {  	s1 =	srdreg.scid  }
0x8b: {  	s0 =	sand.u32 $0x1, s1  }
0x8c: {  	s16 =	sshll.u32 s0, $0xA;
	s2 =	sadd.s32 s3, s2  }
0x8d: {  	s2 =	sadd.s32 s2, s16  }
0x8e: {  	[smem:$0x3FBD] =	sst s2  }
0x8f: {  	_ = 	snop  }
0x90: {  	(tm) =	ssettm $0x1  }
0x91: {  	s17 =	sld [smem:$0x3FFB];
	_ =	sdelay $0x3  }
0x92: {  	_ =	strace s17  }
0x93: {  	s2 =	sld [smem:$0x3FFC];
	_ =	sdelay $0x3  }
0x94: {  	_ =	strace s2  }
0x95: {  	s2 =	sld [smem:$0x3FFD];
	_ =	sdelay $0x3  }
0x96: {  	_ =	strace s2  }
0x97: {  	_ =	strace $0x8FFFFFFF  }
0x98: {  	s18 =	sld [smem:$0x3FDB];
	_ =	sdelay $0x1  }
0x99: {  	s19 =	simm.s32 $_scs_section_size  }
0x9a: {  	s4 =	simm.s32 $_size__tile_overlayer_lowered;
	s5 =	simm.s32 $_tile_overlayer_lowered  }
0x9b: {  	s22 =	simm.s32 $0x1BFF;
	s21 =	sshll.u32 s5, $0x1;
	s2 =	sadd.s32 s19, s18  }
0x9c: {  	s6 =	simm.s32 $0x0;
	s20 =	sshll.u32 s4, $0x1;
	s4 =	sadd.s32 s21, s2  }
0x9d: {  	[timem:s6], [sflag:s22] =	dma.local [hbm:s4], s20  }
0x9e: {  	_ =	swait.ge [sflag:s22], s20  }
0x9f: {  	s3 =	ssub.s32 $0x0, s20;
	[sflag:s22] =	ssyncset.done $0x0  }
0xa0: {  	[sflag:s22] =	ssyncadd.s32 s3;
	_ =	sdelay $0x1  }
0xa1: {  	s23 =	simm.s32 $0x1B8B  }
0xa2: {  	_ =	swait.ge [sflag:s23], $0x1  }
0xa3: {  	[sflag:s23] =	ssyncset.done $0x0  }
0xa4: {  	s25 =	simm.s32 $0x1B8E;
	s24 =	sld [smem:$0x3FFE];
	[sflag:s23] =	ssyncadd.s32 $0xFFFFFFFF  }
0xa5: {  	s26 =	simm.s32 $execute0_lowered;
	[smem:$0x3FD2] =	sst s25  }
0xa6: {  	s4 =	sshll.u32 s26, $0x1;
	_ =	strace $0x80000046;
	[dreg:$0x1] =	wrdreg $0xFFFFFFFF  }
0xa7: {  	s28 =	simm.s32 $_size_execute0_lowered;
	s2 =	sadd.s32 s2, s4;
	[dreg:$0x0] =	wrdreg $0x0  }
0xa8: {  	s4 =	sshll.u32 s28, $0x1;
	[dreg:$0x2] =	wrdreg s2  }
0xa9: {  	[dreg:$0x3] =	wrdreg s4  }
0xaa: {  	[dreg:$0x4] =	wrdreg $0xC0  }
0xab: {  	_ =	task [dreg:s6], $0x5FFFF  }
0xac: {  	[dreg:$0x1] =	wrdreg $0xFFFFFFFF  }
0xad: {  	[dreg:$0x0] =	wrdreg $0x60  }
0xae: {  	[dreg:$0x2] =	wrdreg s24  }
0xaf: {  	[dreg:$0x3] =	wrdreg $0x68000  }
0xb0: {  	[dreg:$0x4] =	wrdreg $0x9  }
0xb1: {  	_ =	task.clear_ibuf [dreg:s6], $0x5FFFF;
	_ =	strace $0x90000046  }
0xb2: {  	s29 =	simm.s32 $0x9;
	_ =	strace $0x80000048  }
0xb3: {  	_ =	swait.ge [sflag:s29], $0x1  }
0xb4: {  	[sflag:s29] =	ssyncadd.s32 $0xFFFFFFFF  }
0xb5: {  	_ =	strace $0x90000048  }
0xb6: {  	_ =	sfence  }
0xb7: {  	s30 =	sld [smem:$0x0];
	_ =	sdelay $0x2  }
0xb8: {  	s31 =	sshll.u32 s1, $0xD;
	s1 =	sshrl.u32 s1, $0x2  }
0xb9: {  	s3 =	sand.u32 $0x4000, s31;
	s1 =	sadd.s32 s1, s30  }
0xba: {  	s0 =	sor.u32 s3, s0;
	s1 =	sshll.u32 s1, $0x11  }
0xbb: {  	s0 =	sor.u32 s1, s0  }
0xbc: {  	s0 =	sadd.s32 $0x8F2B, s0  }
0xbd: {  	[sflag:s0] =	ssyncadd.remote.s32 $0x1  }
0xbe: {  	_ =	sfence.sel $0xFFFF  }
0xbf: {  	[dreg:$0x0] =	wrdreg $0xFFFFFFFF;
	(pc) =	sbr.abs _section_cstart, $3  }
0xc0: {  	[dreg:$0x1] =	wrdreg $0xFFFFFFFF  }
0xc1: {  	_ =	task.clear_ibuf [dreg:s6], $0x2FFFF;
	_ =	strace $0x9FFFFFFF  }
0xc2: {  	(tm) =	ssettm $0x7FFFFFFF  }
0xc3: {  	_ =	shalt  }
tec
execute0_lowered:
.L_overlay_start_1:
0x0: {  	(tag) =	ssettag $0x1  }
0x1: {  	s1 =	srdreg.scid;
	s5 =	rddreg [dreg:$0x0]  }
0x2: {  	s0 =	stileid.u32;
	s2 =	rddreg [dreg:$0x1];
	s3 =	simm.s32 $0x0  }
0x3: {  	s14 =	simm.s32 $0x0;
	s6 =	sand.u32 $0x1, s1;
	s1 =	rddreg [dreg:$0x2]  }
0x4: {  	s28 =	sshll.u32 s0, $0x1;
	[smem:$0x7FF] =	sst s3;
	s7 =	smul.u32 $0x14000, s0  }
0x5: {  	s29 =	smul.u32 $0x50000, s0;
	s31 =	sshll.u32 s0, $0x6;
	s4 =	sor.u32 s6, s28  }
0x6: {  	_ =	strace $0x80000047;
	s8 =	smul.u32 $0x140000, s6;
	s6 =	ssub.s32 $0x2, s6  }
0x7: {  	s4 =	smul.u32 $0x500, s4;
	s10 =	sshrl.u32 s7, $0x3;
	s11 =	sshrl.u32 s6, $0x1  }
0x8: {  	s30 =	sshrl.u32 s29, $0x2;
	s7 =	sadd.s32 s7, s8;
	s10 =	sadd.s32 s10, s5  }
0x9: {  	s11 =	ssub.s32 s6, s11;
	s13 =	sadd.s32 s30, s2;
	s6 =	sor.u32 $0x1C01, s31  }
0xa: {  	s9 =	sadd.s32 s4, s5;
	s4 =	sadd.s32 $0x34C00, s5;
	s7 =	sshrl.u32 s7, $0x3  }
0xb: {  	s12 =	sadd.s32 s7, s5;
	s5 =	sadd.s32 $0xCC00, s10;
	s7 =	sadd.s32 $0x2C00, s9  }
0xc: {  	s9 =	smax.u32 s11, $0x1;
	s10 =	sshrl.u32 s13, $0x3;
	s11 =	simm.s32 $0x1  }
0xd: {  	s13 =	simm.s32 $0x80;
	s8 =	sadd.s32 $0x35400, s12;
	s12 =	simm.s32 $0x2800  }
.LBB2_1:
0xe: {  	[spmem:s10], [sflag:s6] =	dma.local [hbm:s5], $0x2800  }
0xf: {  	_ =	swait.ge [sflag:s11], $0x2800  }
0x10: {  	[sflag:s11] =	ssyncset.done $0x0  }
0x11: {  	[sflag:s11] =	ssyncadd.s32 $0xFFFFD800  }
0x12: {  	[tilespmem:s12], [sflag:$0x1] =	stream.linear.gather [hbm4b:s4+s3], $0x4000, $0x38;
	[tilespmem:$0x1A800] =	vst v63  }
0x13: {  	_ =	swait.ge [sflag:s11], $0x4000  }
0x14: {  	[sflag:s11] =	ssyncset.done $0x0  }
0x15: {  	[sflag:s11] =	ssyncadd.s32 $0xFFFFC000  }
0x16: {  	[tilespmem:s3], [sflag:$0x1] =	stream.linear.gather [hbm4b:s7+s3], $0x2780, $0x38;
	[tilespmem:$0x1A800] =	vst v63  }
0x17: {  	_ =	swait.ge [sflag:s11], $0x2780  }
0x18: {  	[sflag:s11] =	ssyncset.done $0x0  }
0x19: {  	[sflag:s11] =	ssyncadd.s32 $0xFFFFD880  }
0x1a: {  	s15 =	simm.s32 $0x0;
	[bflag:$0x0] =	sbarrier.arrive $0xFFFF  }
0x1b: {  	[spmem:s2] =	stream.indirect.scatter.add.f32 [tilespmem:s12], [sflag:$0x1], $0x80, s15, s13, $0xb8;
	[tilespmem:$0x1A800] =	vst v63  }
0x1c: {  	_ =	swait.ge [sflag:s11], $0x4000  }
0x1d: {  	s15 =	simm.s32 $0x200;
	[sflag:s11] =	ssyncset.done $0x0  }
.LBB2_2:
0x1e: {  	s16 =	sshra.s32 s15, $0x2;
	[sflag:s11] =	ssyncadd.s32 $0xFFFFC000;
	p0 =	sne.s32 s15, $0x9C00  }
0x1f: {  	[spmem:s2] =	stream.indirect.scatter.add.f32 [tilespmem:s12], [sflag:$0x1], $0x80, s16, s13, $0xb8;
	[tilespmem:$0x1A800] =	vst v63  }
.Ltmp0:
0x20: {  	_ = 	snop;
	(pc) =	sbr.rel @p0 .LBB2_2-.Ltmp0, $4  }
0x21: {  	_ = 	snop  }
0x22: {  	s15 =	sadd.s32 $0x200, s15  }
0x23: {  	_ =	swait.ge [sflag:s11], $0x4000  }
0x24: {  	[sflag:s11] =	ssyncset.done $0x0  }
0x25: {  	s14 =	sadd.s32 $0x1, s14  }
0x26: {  	[sflag:s11] =	ssyncadd.s32 $0xFFFFC000;
	p0 =	sne.s32 s14, s9  }
.Ltmp1:
0x27: {  	[bflag:$0x0] =	sbarrier.arrive $0xFFFF;
	(pc) =	sbr.rel @p0 .LBB2_1-.Ltmp1, $4  }
0x28: {  	[hbm:s8], [sflag:s6] =	dma.local [spmem:s10], $0x2800  }
0x29: {  	_ =	swait.ge [sflag:s11], $0x2800  }
0x2a: {  	[sflag:s11] =	ssyncset.done $0x0  }
0x2b: {  	[sflag:s11] =	ssyncadd.s32 $0xFFFFD800  }
0x2c: {  	_ =	sfence.sel $0x180000  }
0x2d: {  	[bflag:$0x0] =	sbarrier.arrive $0xFFFF  }
0x2e: {  	p0 =	sne.s32 s0, $0x0;
	_ =	strace $0x90000047  }
0x2f: {  	s0 =	sadd.s32 @!p0 $0x100000, s1;
	[bflag:$0x2] =	sbarrier.arrive $0xFFFF  }
0x30: {  	[sflag:s0] =	ssyncadd.tile.s32 @!p0 $0x1;
	_ =	shalt  }
.Lfunc_end2:
_tile_overlayer_lowered:
.L_overlay_start_2:
0x31: {  	(tag) =	ssettag $0x2  }
0x32: {  	s0 =	rddreg [dreg:$0x0];
	s2 =	stileid.u32  }
0x33: {  	s1 =	rddreg [dreg:$0x1];
	p0 =	sne.s32 s2, $0x0  }
0x34: {  	s3 =	rddreg [dreg:$0x2];
	[bflag:$0x3] =	sbarrier.arrive $0xFFFF;
	s2 =	simm.s32 @!p0 $0x1C01  }
0x35: {  	[timem:s3], [sflag:s2] =	dma.local @!p0 [hbm:s0], s1  }
0x36: {  	s0 =	simm.s32 @!p0 $0x1  }
0x37: {  	_ =	swait.ge @!p0 [sflag:s0], s1  }
0x38: {  	s1 =	ssub.s32 @!p0 $0x0, s1;
	[sflag:s0] =	ssyncset.done @!p0 $0x0  }
0x39: {  	[sflag:s0] =	ssyncadd.s32 @!p0 s1  }
0x3a: {  	[bflag:$0x3] =	sbarrier.arrive $0xFFFF  }
0x3b: {  	_ =	shalt  }

</sc_bundles>
